<compile_context>
chip_gen: v7x
topology: tpu7x:2x2x1
jax: 0.10.2.dev20260603
libtpu: 0.0.44.dev20260713+nightly
codegen_flags: <defaults>
</compile_context>

<pallas_src>
import jax
import jax.numpy as jnp
from jax import lax
from jax.experimental import pallas as pl
from jax.experimental.pallas import tpu as pltpu
from jax.experimental.pallas import tpu_sc as plsc

N = 10000
D = 128
H = 128
CH = 128
GB = 8
NC = 2
NS = 16
RQ = 80
NQ = N // RQ
RQF = 200
NQF = N // RQF
BN = 1000


def _transform_body(x_ref, w_ref, y_ref):
    y_ref[0] = jnp.dot(x_ref[0], w_ref[0], preferred_element_type=jnp.float32)


def _combine_body(sum_ref, cnt_ref, x_ref, wp_ref, ws_ref, b_ref, o_ref):
    w = wp_ref[...] + ws_ref[...]
    z = jnp.dot(x_ref[...], w, preferred_element_type=jnp.float32)
    c0 = jnp.maximum(cnt_ref[0, :, 0:1], 1.0)
    c1 = jnp.maximum(cnt_ref[1, :, 0:1], 1.0)
    o_ref[...] = sum_ref[0] / c0 + sum_ref[1] / c1 + z + b_ref[...]


def _make_sc_body(nchunk):
    ngrp = nchunk // GB
    ntail = nchunk - ngrp * GB

    def _zero_fill(rows_v):
        @pl.loop(0, RQ)
        def _(i):
            @pl.loop(0, H // 16)
            def _(j):
                rows_v[i, pl.ds(j * 16, 16)] = jnp.zeros((16,), jnp.float32)

    def _zero_acc(s, rows_v, acc_sh):
        @pl.loop(0, (NQ + NS - 1) // NS)
        def _(j):
            q = j * NS + s

            @pl.when(q < NQ)
            def _():
                pltpu.sync_copy(rows_v.at[pl.ds(0, RQ)],
                                acc_sh.at[pl.ds(q * RQ, RQ)])

    def _flush(c, s, acc_sh, out_hbm):
        @pl.loop(0, (NQF + NS - 1) // NS)
        def _(j):
            q = j * NS + s

            @pl.when(q < NQF)
            def _():
                b = q * RQF
                pltpu.sync_copy(acc_sh.at[pl.ds(b, RQF)], out_hbm.at[c, pl.ds(b, RQF)])

    def body(src_hbm, dst_hbm, y_hbm, sum_hbm, cnt_hbm,
             acc_sh, sgrp_v, dgrp_v, rows_a, rows_b, sem_a, sem_b, sem_s):
        c = lax.axis_index("c")
        s = lax.axis_index("s")

        _zero_fill(rows_a)
        _zero_acc(s, rows_a, acc_sh)
        plsc.subcore_barrier()

        bufs = (rows_a, rows_b)
        sems = (sem_a, sem_b)

        @pl.loop(0, (ngrp + NS - 1) // NS)
        def _(j):
            g = j * NS + s

            @pl.when(g < ngrp)
            def _():
                pltpu.sync_copy(src_hbm.at[c, pl.ds(g * GB, GB)], sgrp_v)
                pltpu.sync_copy(dst_hbm.at[c, pl.ds(g * GB, GB)], dgrp_v)
                gd = {0: pltpu.async_copy(y_hbm.at[sgrp_v.at[0]],
                                          bufs[0], sems[0])}
                sd = {}
                for r in range(GB):
                    gd[r].wait()
                    if r + 1 < GB:
                        if r >= 1:
                            sd[r - 1].wait()
                        gd[r + 1] = pltpu.async_copy(
                            y_hbm.at[sgrp_v.at[r + 1]],
                            bufs[(r + 1) % 2], sems[(r + 1) % 2])
                    sd[r] = pltpu.async_copy(bufs[r % 2],
                                             acc_sh.at[dgrp_v.at[r]],
                                             sem_s, add=True)
                sd[GB - 2].wait()
                sd[GB - 1].wait()

        if ntail:
            @pl.when(s == 0)
            def _():
                pltpu.sync_copy(src_hbm.at[c, pl.ds(ngrp * GB, ntail)],
                                sgrp_v.at[pl.ds(0, ntail)])
                pltpu.sync_copy(dst_hbm.at[c, pl.ds(ngrp * GB, ntail)],
                                dgrp_v.at[pl.ds(0, ntail)])
                for r in range(ntail):
                    pltpu.sync_copy(y_hbm.at[sgrp_v.at[r]], rows_a)
                    pltpu.sync_copy(rows_a, acc_sh.at[dgrp_v.at[r]], add=True)

        plsc.subcore_barrier()
        _flush(c, s, acc_sh, sum_hbm)
        plsc.subcore_barrier()

        _zero_fill(rows_a)
        _zero_acc(s, rows_a, acc_sh)
        plsc.subcore_barrier()

        @pl.loop(0, CH)
        def _(i):
            @pl.loop(0, H // 16)
            def _(j):
                rows_a[i, pl.ds(j * 16, 16)] = jnp.ones((16,), jnp.float32)

        @pl.loop(0, (ngrp + NS - 1) // NS)
        def _(j):
            g = j * NS + s

            @pl.when(g < ngrp)
            def _():
                pltpu.sync_copy(dst_hbm.at[c, pl.ds(g * GB, GB)], dgrp_v)
                descs = [pltpu.async_copy(rows_a, acc_sh.at[dgrp_v.at[r]],
                                          sem_s, add=True)
                         for r in range(GB)]
                for d in descs:
                    d.wait()

        if ntail:
            @pl.when(s == 0)
            def _():
                pltpu.sync_copy(dst_hbm.at[c, pl.ds(ngrp * GB, ntail)],
                                dgrp_v.at[pl.ds(0, ntail)])
                for r in range(ntail):
                    pltpu.sync_copy(rows_a, acc_sh.at[dgrp_v.at[r]], add=True)

        plsc.subcore_barrier()
        _flush(c, s, acc_sh, cnt_hbm)

    return body


def kernel(x_licitacion, x_empresa, ei_participa, ei_similar,
           Wl_participa, bl_participa, Wr_participa,
           Wl_similar, bl_similar, Wr_similar):
    E = ei_participa.shape[1]
    nchunk = E // CH

    xcat = jnp.stack([x_empresa, x_licitacion])
    wcat = jnp.stack([Wl_participa, Wl_similar])
    ycat = pl.pallas_call(
        _transform_body,
        grid=(2, N // BN),
        in_specs=[
            pl.BlockSpec((1, BN, D), lambda t, i: (t, i, 0)),
            pl.BlockSpec((1, D, H), lambda t, i: (t, 0, 0)),
        ],
        out_specs=pl.BlockSpec((1, BN, H), lambda t, i: (t, i, 0)),
        out_shape=jax.ShapeDtypeStruct((2, N, H), jnp.float32),
    )(xcat, wcat)
    ycat = ycat.reshape(2 * N, H)

    srccat = jnp.stack([ei_participa[0], ei_similar[0] + N]).reshape(2, nchunk, CH)
    dstcat = jnp.stack([ei_participa[1], ei_similar[1]]).reshape(2, nchunk, CH)

    mesh = plsc.VectorSubcoreMesh(core_axis_name="c", subcore_axis_name="s",
                                  num_cores=NC, num_subcores=NS)
    sums, cnts = pl.kernel(
        _make_sc_body(nchunk),
        out_type=(jax.ShapeDtypeStruct((2, N, H), jnp.float32),
                  jax.ShapeDtypeStruct((2, N, H), jnp.float32)),
        mesh=mesh,
        scratch_types=[
            pltpu.VMEM_SHARED((N, H), jnp.float32),
            pltpu.VMEM((GB, CH), jnp.int32),
            pltpu.VMEM((GB, CH), jnp.int32),
            pltpu.VMEM((CH, H), jnp.float32),
            pltpu.VMEM((CH, H), jnp.float32),
            pltpu.SemaphoreType.DMA,
            pltpu.SemaphoreType.DMA,
            pltpu.SemaphoreType.DMA,
        ],
    )(srccat, dstcat, ycat)

    bsum = (bl_participa + bl_similar).reshape(1, H)
    out = pl.pallas_call(
        _combine_body,
        grid=(N // BN,),
        in_specs=[
            pl.BlockSpec((2, BN, H), lambda i: (0, i, 0)),
            pl.BlockSpec((2, BN, H), lambda i: (0, i, 0)),
            pl.BlockSpec((BN, D), lambda i: (i, 0)),
            pl.BlockSpec((D, H), lambda i: (0, 0)),
            pl.BlockSpec((D, H), lambda i: (0, 0)),
            pl.BlockSpec((1, H), lambda i: (0, 0)),
        ],
        out_specs=pl.BlockSpec((BN, H), lambda i: (i, 0)),
        out_shape=jax.ShapeDtypeStruct((N, H), jnp.float32),
    )(sums, cnts, x_licitacion, Wr_participa, Wr_similar, bsum)
    return out

# --- scband reference (transcript-rebuilt; emitter-appended) ---
"""Pipeline reference for scband-licitacion-gnn-8839042695662 (READ-ONLY COPY).

The authoritative reference and input builder live on the scoring server;
editing this copy changes nothing except your own understanding.
"""

import jax, jax.numpy as jnp
import numpy as np

N_L, N_E, D, H, E = 10000, 10000, 128, 128, 160000


def setup_inputs(seed: int = 0) -> dict:
    key = jax.random.key(seed)
    ks = jax.random.split(key, 12)
    s = 0.05
    return {
        "x_licitacion": jax.random.normal(ks[0], (N_L, D), jnp.float32),
        "x_empresa": jax.random.normal(ks[1], (N_E, D), jnp.float32),
        "ei_participa": jax.random.randint(ks[2], (2, E), 0, N_L, dtype=jnp.int32),
        "ei_similar": jax.random.randint(ks[3], (2, E), 0, N_L, dtype=jnp.int32),
        "Wl_participa": jax.random.normal(ks[4], (D, H), jnp.float32) * s,
        "bl_participa": jax.random.normal(ks[5], (H,), jnp.float32) * s,
        "Wr_participa": jax.random.normal(ks[6], (D, H), jnp.float32) * s,
        "Wl_similar": jax.random.normal(ks[7], (D, H), jnp.float32) * s,
        "bl_similar": jax.random.normal(ks[8], (H,), jnp.float32) * s,
        "Wr_similar": jax.random.normal(ks[9], (D, H), jnp.float32) * s,
    }


def _sage_conv(x_src, x_dst, edge_index, Wl, bl, Wr, n_dst):
    # PyG SAGEConv with default mean aggregation:
    #   out = lin_l(mean_{j in N(i)} x_j) + lin_r(x_i)
    src = edge_index[0]
    dst = edge_index[1]
    msg = jnp.take(x_src, src, axis=0)
    agg = jax.ops.segment_sum(msg, dst, num_segments=n_dst)
    cnt = jax.ops.segment_sum(jnp.ones((dst.shape[0],), x_src.dtype), dst, num_segments=n_dst)
    mean = agg / jnp.clip(cnt, 1.0, None)[:, None]
    return mean @ Wl + bl + x_dst @ Wr


def reference(x_licitacion, x_empresa, ei_participa, ei_similar,
              Wl_participa, bl_participa, Wr_participa,
              Wl_similar, bl_similar, Wr_similar):
    # to_hetero(SAGEConv, metadata, aggr='sum'): one SAGEConv per edge type,
    # contributions to each dst node type are summed. Only 'licitacion' is
    # returned by the original module, and only conv1 (via self.gnn) is used.
    out_participa = _sage_conv(x_empresa, x_licitacion, ei_participa,
                               Wl_participa, bl_participa, Wr_participa, N_L)
    out_similar = _sage_conv(x_licitacion, x_licitacion, ei_similar,
                             Wl_similar, bl_similar, Wr_similar, N_L)
    return out_participa + out_similar

if __name__ == "__main__":
    import jax
    _d = setup_inputs()
    print(jax.jit(kernel)(*tuple(_d.values())))

</pallas_src>

<mosaic_0001>
#map = affine_map<(d0, d1) -> (0, 0, 0)>
#map1 = affine_map<(d0, d1) -> (0, 0)>
module attributes {stable_mosaic.version = 14 : i64} {
  func.func @body(%arg0: i32, %arg1: i32, %arg2: memref<2x1250x128xi32, #tpu.memory_space<hbm>>, %arg3: memref<2x1250x128xi32, #tpu.memory_space<hbm>>, %arg4: memref<20000x128xf32, #tpu.memory_space<hbm>>, %arg5: memref<2x10000x128xf32, #tpu.memory_space<hbm>>, %arg6: memref<2x10000x128xf32, #tpu.memory_space<hbm>>, %arg7: memref<10000x128xf32, #tpu.memory_space<vmem_shared>>, %arg8: memref<8x128xi32, #tpu.memory_space<vmem>>, %arg9: memref<8x128xi32, #tpu.memory_space<vmem>>, %arg10: memref<128x128xf32, #tpu.memory_space<vmem>>, %arg11: memref<128x128xf32, #tpu.memory_space<vmem>>, %arg12: memref<!tpu.dma_semaphore, #tpu.memory_space<semaphore_mem>>, %arg13: memref<!tpu.dma_semaphore, #tpu.memory_space<semaphore_mem>>, %arg14: memref<!tpu.dma_semaphore, #tpu.memory_space<semaphore_mem>>) attributes {dimension_semantics = [#tpu.dimension_semantics<core_parallel>, #tpu.dimension_semantics<subcore_parallel>], iteration_bounds = array<i64: 2, 16>, scalar_prefetch = 0 : i64, scratch_operands = 8 : i64, tpu.core_type = #tpu.core_type<sc_vector_subcore>, window_params = [{transform_indices = #map}, {transform_indices = #map}, {transform_indices = #map1}, {transform_indices = #map}, {transform_indices = #map}]} {
    %scan3A = arith.constant 0 : i32
    %scan3A_0 = arith.constant 80 : i32
    %scan3A_1 = arith.addi %scan3A, %scan3A_0 : i32
    %scan3A_2 = arith.constant 1 : i32
    scf.for %scan3A_55 = %scan3A to %scan3A_1 step %scan3A_2  : i32 {
      %mul3A = arith.constant 1 : i32
      %mul3A_56 = arith.muli %scan3A_55, %mul3A : i32
      %add3A = arith.constant 0 : i32
      %add3A_57 = arith.addi %add3A, %mul3A_56 : i32
      %scan3A_58 = arith.constant 0 : i32
      %scan3A_59 = arith.constant 8 : i32
      %scan3A_60 = arith.addi %scan3A_58, %scan3A_59 : i32
      %scan3A_61 = arith.constant 1 : i32
      scf.for %scan3A_63 = %scan3A_58 to %scan3A_60 step %scan3A_61  : i32 {
        %mul3A_64 = arith.constant 1 : i32
        %mul3A_65 = arith.muli %scan3A_63, %mul3A_64 : i32
        %add3A_66 = arith.constant 0 : i32
        %add3A_67 = arith.addi %add3A_66, %mul3A_65 : i32
        %broadcast_in_dim3A = arith.constant 0.000000e+00 : f32
        %broadcast_in_dim3A_68 = vector.broadcast %broadcast_in_dim3A : f32 to vector<16xf32>
        %mul3A_69 = arith.constant 16 : i32
        %mul3A_70 = arith.muli %add3A_67, %mul3A_69 : i32
        %swap3A = arith.index_cast %add3A_57 : i32 to index
        %swap3A_71 = arith.index_cast %mul3A_70 : i32 to index
        %swap3A_72 = tpu.vector_load %arg10[%swap3A, %swap3A_71] {strides = array<i32>} : memref<128x128xf32, #tpu.memory_space<vmem>>, vector<1x16xf32>,
        %swap3A_73 = vector.shape_cast %swap3A_72 : vector<1x16xf32> to vector<16xf32>
        %swap3A_74 = vector.shape_cast %broadcast_in_dim3A_68 : vector<16xf32> to vector<1x16xf32>
        tpu.vector_store %arg10[%swap3A, %swap3A_71], %swap3A_74 {strides = array<i32>} : memref<128x128xf32, #tpu.memory_space<vmem>>, vector<1x16xf32>,
      }
      %scan3A_62 = arith.constant 8 : i32
    }
    %scan3A_3 = arith.constant 80 : i32
    %scan3A_4 = arith.constant 0 : i32
    %scan3A_5 = arith.constant 8 : i32
    %scan3A_6 = arith.addi %scan3A_4, %scan3A_5 : i32
    %scan3A_7 = arith.constant 1 : i32
    scf.for %scan3A_55 = %scan3A_4 to %scan3A_6 step %scan3A_7  : i32 {
      %mul3A = arith.constant 1 : i32
      %mul3A_56 = arith.muli %scan3A_55, %mul3A : i32
      %add3A = arith.constant 0 : i32
      %add3A_57 = arith.addi %add3A, %mul3A_56 : i32
      %mul3A_58 = arith.constant 16 : i32
      %mul3A_59 = arith.muli %add3A_57, %mul3A_58 : i32
      %add3A_60 = arith.addi %mul3A_59, %arg1 : i32
      %lt3A = arith.constant 125 : i32
      %lt3A_61 = arith.cmpi slt, %add3A_60, %lt3A : i32
      %convert_element_type3A_62 = arith.extui %lt3A_61 : i1 to i32
      %cond3A_63 = arith.constant 0 : i32
      %cond3A_64 = arith.cmpi ne, %convert_element_type3A_62, %cond3A_63 : i32
      scf.if %cond3A_64 {
        %mul3A_65 = arith.constant 80 : i32
        %mul3A_66 = arith.muli %add3A_60, %mul3A_65 : i32
        "tpu.region"() ({
          %run_scoped3A = tpu.sem_alloc : memref<!tpu.dma_semaphore, #tpu.memory_space<semaphore_mem>>
          %dma_start3A = arith.constant 0 : i32
          %dma_start3A_67 = arith.constant 0 : i32
          %dma_start3A_68 = tpu.memref_slice %arg10[%dma_start3A, %dma_start3A_67] : memref<128x128xf32, #tpu.memory_space<vmem>> -> memref<80x128xf32, #tpu.memory_space<vmem>>
          %dma_start3A_69 = arith.constant 0 : i32
          %dma_start3A_70 = tpu.memref_slice %arg7[%mul3A_66, %dma_start3A_69] : memref<10000x128xf32, #tpu.memory_space<vmem_shared>> -> memref<80x128xf32, #tpu.memory_space<vmem_shared>>
          %dma_start3A_71 = arith.constant 0 : i32
          %dma_start3A_72 = tpu.memref_slice %arg7[%mul3A_66, %dma_start3A_71] : memref<10000x128xf32, #tpu.memory_space<vmem_shared>> -> memref<80x128xf32, #tpu.memory_space<vmem_shared>>
          %dma_start3A_73 = arith.constant 0 : i32
          %dma_start3A_74 = arith.constant 0 : i32
          %dma_start3A_75 = tpu.memref_slice %arg10[%dma_start3A_73, %dma_start3A_74] : memref<128x128xf32, #tpu.memory_space<vmem>> -> memref<80x128xf32, #tpu.memory_space<vmem>>
          tpu.enqueue_dma source(%dma_start3A_75 : memref<80x128xf32, #tpu.memory_space<vmem>>) target(%dma_start3A_72 : memref<80x128xf32, #tpu.memory_space<vmem_shared>>) target_semaphore(%run_scoped3A : memref<!tpu.dma_semaphore, #tpu.memory_space<semaphore_mem>>)
          %dma_wait3A = arith.constant 0 : i32
          %dma_wait3A_76 = arith.constant 0 : i32
          %dma_wait3A_77 = tpu.memref_slice %arg10[%dma_wait3A, %dma_wait3A_76] : memref<128x128xf32, #tpu.memory_space<vmem>> -> memref<80x128xf32, #tpu.memory_space<vmem>>
          %dma_wait3A_78 = arith.constant 0 : i32
          %dma_wait3A_79 = tpu.memref_slice %arg7[%mul3A_66, %dma_wait3A_78] : memref<10000x128xf32, #tpu.memory_space<vmem_shared>> -> memref<80x128xf32, #tpu.memory_space<vmem_shared>>
          %dma_wait3A_80 = arith.constant 0 : i32
          %dma_wait3A_81 = tpu.memref_slice %arg7[%mul3A_66, %dma_wait3A_80] : memref<10000x128xf32, #tpu.memory_space<vmem_shared>> -> memref<80x128xf32, #tpu.memory_space<vmem_shared>>
          %dma_wait3A_82 = arith.constant 0 : i32
          %dma_wait3A_83 = arith.constant 0 : i32
          %dma_wait3A_84 = tpu.memref_slice %arg10[%dma_wait3A_82, %dma_wait3A_83] : memref<128x128xf32, #tpu.memory_space<vmem>> -> memref<80x128xf32, #tpu.memory_space<vmem>>
          tpu.wait_dma2 semaphore(%run_scoped3A : memref<!tpu.dma_semaphore, #tpu.memory_space<semaphore_mem>>) src(%dma_wait3A_84 : memref<80x128xf32, #tpu.memory_space<vmem>>) dst(%dma_wait3A_81 : memref<80x128xf32, #tpu.memory_space<vmem_shared>>)
          tpu.yield
        }) : () -> ()
      } else {
      }
    }
    %scan3A_8 = arith.constant 8 : i32
    %barrier3A = arith.constant 0 : index
    tpu.barrier barrier_id(%barrier3A)
    %scan3A_9 = arith.constant 0 : i32
    %scan3A_10 = arith.constant 10 : i32
    %scan3A_11 = arith.addi %scan3A_9, %scan3A_10 : i32
    %scan3A_12 = arith.constant 1 : i32
    scf.for %scan3A_55 = %scan3A_9 to %scan3A_11 step %scan3A_12  : i32 {
      %mul3A = arith.constant 1 : i32
      %mul3A_56 = arith.muli %scan3A_55, %mul3A : i32
      %add3A = arith.constant 0 : i32
      %add3A_57 = arith.addi %add3A, %mul3A_56 : i32
      %mul3A_58 = arith.constant 16 : i32
      %mul3A_59 = arith.muli %add3A_57, %mul3A_58 : i32
      %add3A_60 = arith.addi %mul3A_59, %arg1 : i32
      %lt3A = arith.constant 156 : i32
      %lt3A_61 = arith.cmpi slt, %add3A_60, %lt3A : i32
      %convert_element_type3A_62 = arith.extui %lt3A_61 : i1 to i32
      %cond3A_63 = arith.constant 0 : i32
      %cond3A_64 = arith.cmpi ne, %convert_element_type3A_62, %cond3A_63 : i32
      scf.if %cond3A_64 {
        %mul3A_65 = arith.constant 8 : i32
        %mul3A_66 = arith.muli %add3A_60, %mul3A_65 : i32
        "tpu.region"() ({
          %run_scoped3A = tpu.sem_alloc : memref<!tpu.dma_semaphore, #tpu.memory_space<semaphore_mem>>
          %dma_start3A_291 = arith.constant 0 : i32
          %dma_start3A_292 = tpu.memref_slice %arg2[%arg0, %mul3A_66, %dma_start3A_291] : memref<2x1250x128xi32, #tpu.memory_space<hbm>> -> memref<1x8x128xi32, #tpu.memory_space<hbm>>
          %dma_start3A_293 = tpu.memref_squeeze %dma_start3A_292 : memref<1x8x128xi32, #tpu.memory_space<hbm>> -> memref<8x128xi32, #tpu.memory_space<hbm>>
          %dma_start3A_294 = arith.constant 0 : i32
          %dma_start3A_295 = tpu.memref_slice %arg2[%arg0, %mul3A_66, %dma_start3A_294] : memref<2x1250x128xi32, #tpu.memory_space<hbm>> -> memref<1x8x128xi32, #tpu.memory_space<hbm>>
          %dma_start3A_296 = tpu.memref_squeeze %dma_start3A_295 : memref<1x8x128xi32, #tpu.memory_space<hbm>> -> memref<8x128xi32, #tpu.memory_space<hbm>>
          tpu.enqueue_dma source(%dma_start3A_296 : memref<8x128xi32, #tpu.memory_space<hbm>>) target(%arg8 : memref<8x128xi32, #tpu.memory_space<vmem>>) target_semaphore(%run_scoped3A : memref<!tpu.dma_semaphore, #tpu.memory_space<semaphore_mem>>)
          %dma_wait3A_297 = arith.constant 0 : i32
          %dma_wait3A_298 = tpu.memref_slice %arg2[%arg0, %mul3A_66, %dma_wait3A_297] : memref<2x1250x128xi32, #tpu.memory_space<hbm>> -> memref<1x8x128xi32, #tpu.memory_space<hbm>>
          %dma_wait3A_299 = tpu.memref_squeeze %dma_wait3A_298 : memref<1x8x128xi32, #tpu.memory_space<hbm>> -> memref<8x128xi32, #tpu.memory_space<hbm>>
          %dma_wait3A_300 = arith.constant 0 : i32
          %dma_wait3A_301 = tpu.memref_slice %arg2[%arg0, %mul3A_66, %dma_wait3A_300] : memref<2x1250x128xi32, #tpu.memory_space<hbm>> -> memref<1x8x128xi32, #tpu.memory_space<hbm>>
          %dma_wait3A_302 = tpu.memref_squeeze %dma_wait3A_301 : memref<1x8x128xi32, #tpu.memory_space<hbm>> -> memref<8x128xi32, #tpu.memory_space<hbm>>
          tpu.wait_dma2 semaphore(%run_scoped3A : memref<!tpu.dma_semaphore, #tpu.memory_space<semaphore_mem>>) src(%dma_wait3A_302 : memref<8x128xi32, #tpu.memory_space<hbm>>) dst(%arg8 : memref<8x128xi32, #tpu.memory_space<vmem>>)
          tpu.yield
        }) : () -> ()
        %mul3A_67 = arith.constant 8 : i32
        %mul3A_68 = arith.muli %add3A_60, %mul3A_67 : i32
        "tpu.region"() ({
          %run_scoped3A = tpu.sem_alloc : memref<!tpu.dma_semaphore, #tpu.memory_space<semaphore_mem>>
          %dma_start3A_291 = arith.constant 0 : i32
          %dma_start3A_292 = tpu.memref_slice %arg3[%arg0, %mul3A_68, %dma_start3A_291] : memref<2x1250x128xi32, #tpu.memory_space<hbm>> -> memref<1x8x128xi32, #tpu.memory_space<hbm>>
          %dma_start3A_293 = tpu.memref_squeeze %dma_start3A_292 : memref<1x8x128xi32, #tpu.memory_space<hbm>> -> memref<8x128xi32, #tpu.memory_space<hbm>>
          %dma_start3A_294 = arith.constant 0 : i32
          %dma_start3A_295 = tpu.memref_slice %arg3[%arg0, %mul3A_68, %dma_start3A_294] : memref<2x1250x128xi32, #tpu.memory_space<hbm>> -> memref<1x8x128xi32, #tpu.memory_space<hbm>>
          %dma_start3A_296 = tpu.memref_squeeze %dma_start3A_295 : memref<1x8x128xi32, #tpu.memory_space<hbm>> -> memref<8x128xi32, #tpu.memory_space<hbm>>
          tpu.enqueue_dma source(%dma_start3A_296 : memref<8x128xi32, #tpu.memory_space<hbm>>) target(%arg9 : memref<8x128xi32, #tpu.memory_space<vmem>>) target_semaphore(%run_scoped3A : memref<!tpu.dma_semaphore, #tpu.memory_space<semaphore_mem>>)
          %dma_wait3A_297 = arith.constant 0 : i32
          %dma_wait3A_298 = tpu.memref_slice %arg3[%arg0, %mul3A_68, %dma_wait3A_297] : memref<2x1250x128xi32, #tpu.memory_space<hbm>> -> memref<1x8x128xi32, #tpu.memory_space<hbm>>
          %dma_wait3A_299 = tpu.memref_squeeze %dma_wait3A_298 : memref<1x8x128xi32, #tpu.memory_space<hbm>> -> memref<8x128xi32, #tpu.memory_space<hbm>>
          %dma_wait3A_300 = arith.constant 0 : i32
          %dma_wait3A_301 = tpu.memref_slice %arg3[%arg0, %mul3A_68, %dma_wait3A_300] : memref<2x1250x128xi32, #tpu.memory_space<hbm>> -> memref<1x8x128xi32, #tpu.memory_space<hbm>>
          %dma_wait3A_302 = tpu.memref_squeeze %dma_wait3A_301 : memref<1x8x128xi32, #tpu.memory_space<hbm>> -> memref<8x128xi32, #tpu.memory_space<hbm>>
          tpu.wait_dma2 semaphore(%run_scoped3A : memref<!tpu.dma_semaphore, #tpu.memory_space<semaphore_mem>>) src(%dma_wait3A_302 : memref<8x128xi32, #tpu.memory_space<hbm>>) dst(%arg9 : memref<8x128xi32, #tpu.memory_space<vmem>>)
          tpu.yield
        }) : () -> ()
        %dma_start3A = arith.constant 0 : i32
        %dma_start3A_69 = arith.constant 0 : i32
        %dma_start3A_70 = tpu.memref_slice %arg8[%dma_start3A, %dma_start3A_69] : memref<8x128xi32, #tpu.memory_space<vmem>> -> memref<1x128xi32, #tpu.memory_space<vmem>>
        %dma_start3A_71 = tpu.memref_squeeze %dma_start3A_70 : memref<1x128xi32, #tpu.memory_space<vmem>> -> memref<128xi32, #tpu.memory_space<vmem>>
        %dma_start3A_72 = arith.constant 0 : i32
        %dma_start3A_73 = arith.constant 0 : i32
        %dma_start3A_74 = tpu.memref_slice %arg4[%dma_start3A_72, %dma_start3A_73] : memref<20000x128xf32, #tpu.memory_space<hbm>> -> memref<20000x128xf32, #tpu.memory_space<hbm>>
        tpu.enqueue_indirect_dma source(%dma_start3A_74 : memref<20000x128xf32, #tpu.memory_space<hbm>>) target(%arg10 : memref<128x128xf32, #tpu.memory_space<vmem>>) offsets(%dma_start3A_71 : memref<128xi32, #tpu.memory_space<vmem>>) semaphore(%arg12 : memref<!tpu.dma_semaphore, #tpu.memory_space<semaphore_mem>>)
        %dma_wait3A = arith.constant 0 : i32
        %dma_wait3A_75 = arith.constant 0 : i32
        %dma_wait3A_76 = tpu.memref_slice %arg8[%dma_wait3A, %dma_wait3A_75] : memref<8x128xi32, #tpu.memory_space<vmem>> -> memref<1x128xi32, #tpu.memory_space<vmem>>
        %dma_wait3A_77 = tpu.memref_squeeze %dma_wait3A_76 : memref<1x128xi32, #tpu.memory_space<vmem>> -> memref<128xi32, #tpu.memory_space<vmem>>
        %dma_wait3A_78 = arith.constant 0 : i32
        %dma_wait3A_79 = arith.constant 0 : i32
        %dma_wait3A_80 = tpu.memref_slice %arg4[%dma_wait3A_78, %dma_wait3A_79] : memref<20000x128xf32, #tpu.memory_space<hbm>> -> memref<20000x128xf32, #tpu.memory_space<hbm>>
        tpu.wait_indirect_dma semaphore(%arg12 : memref<!tpu.dma_semaphore, #tpu.memory_space<semaphore_mem>>) src(%dma_wait3A_80 : memref<20000x128xf32, #tpu.memory_space<hbm>>) dst(%arg10 : memref<128x128xf32, #tpu.memory_space<vmem>>)
        %dma_start3A_81 = arith.constant 1 : i32
        %dma_start3A_82 = arith.constant 0 : i32
        %dma_start3A_83 = tpu.memref_slice %arg8[%dma_start3A_81, %dma_start3A_82] : memref<8x128xi32, #tpu.memory_space<vmem>> -> memref<1x128xi32, #tpu.memory_space<vmem>>
        %dma_start3A_84 = tpu.memref_squeeze %dma_start3A_83 : memref<1x128xi32, #tpu.memory_space<vmem>> -> memref<128xi32, #tpu.memory_space<vmem>>
        %dma_start3A_85 = arith.constant 0 : i32
        %dma_start3A_86 = arith.constant 0 : i32
        %dma_start3A_87 = tpu.memref_slice %arg4[%dma_start3A_85, %dma_start3A_86] : memref<20000x128xf32, #tpu.memory_space<hbm>> -> memref<20000x128xf32, #tpu.memory_space<hbm>>
        tpu.enqueue_indirect_dma source(%dma_start3A_87 : memref<20000x128xf32, #tpu.memory_space<hbm>>) target(%arg11 : memref<128x128xf32, #tpu.memory_space<vmem>>) offsets(%dma_start3A_84 : memref<128xi32, #tpu.memory_space<vmem>>) semaphore(%arg13 : memref<!tpu.dma_semaphore, #tpu.memory_space<semaphore_mem>>)
        %dma_start3A_88 = arith.constant 0 : i32
        %dma_start3A_89 = arith.constant 0 : i32
        %dma_start3A_90 = tpu.memref_slice %arg9[%dma_start3A_88, %dma_start3A_89] : memref<8x128xi32, #tpu.memory_space<vmem>> -> memref<1x128xi32, #tpu.memory_space<vmem>>
        %dma_start3A_91 = tpu.memref_squeeze %dma_start3A_90 : memref<1x128xi32, #tpu.memory_space<vmem>> -> memref<128xi32, #tpu.memory_space<vmem>>
        %dma_start3A_92 = arith.constant 0 : i32
        %dma_start3A_93 = arith.constant 0 : i32
        %dma_start3A_94 = tpu.memref_slice %arg7[%dma_start3A_92, %dma_start3A_93] : memref<10000x128xf32, #tpu.memory_space<vmem_shared>> -> memref<10000x128xf32, #tpu.memory_space<vmem_shared>>
        tpu.enqueue_indirect_dma source(%arg10 : memref<128x128xf32, #tpu.memory_space<vmem>>) target(%dma_start3A_94 : memref<10000x128xf32, #tpu.memory_space<vmem_shared>>) offsets(%dma_start3A_91 : memref<128xi32, #tpu.memory_space<vmem>>) semaphore(%arg14 : memref<!tpu.dma_semaphore, #tpu.memory_space<semaphore_mem>>) {add = true}
        %dma_wait3A_95 = arith.constant 1 : i32
        %dma_wait3A_96 = arith.constant 0 : i32
        %dma_wait3A_97 = tpu.memref_slice %arg8[%dma_wait3A_95, %dma_wait3A_96] : memref<8x128xi32, #tpu.memory_space<vmem>> -> memref<1x128xi32, #tpu.memory_space<vmem>>
        %dma_wait3A_98 = tpu.memref_squeeze %dma_wait3A_97 : memref<1x128xi32, #tpu.memory_space<vmem>> -> memref<128xi32, #tpu.memory_space<vmem>>
        %dma_wait3A_99 = arith.constant 0 : i32
        %dma_wait3A_100 = arith.constant 0 : i32
        %dma_wait3A_101 = tpu.memref_slice %arg4[%dma_wait3A_99, %dma_wait3A_100] : memref<20000x128xf32, #tpu.memory_space<hbm>> -> memref<20000x128xf32, #tpu.memory_space<hbm>>
        tpu.wait_indirect_dma semaphore(%arg13 : memref<!tpu.dma_semaphore, #tpu.memory_space<semaphore_mem>>) src(%dma_wait3A_101 : memref<20000x128xf32, #tpu.memory_space<hbm>>) dst(%arg11 : memref<128x128xf32, #tpu.memory_space<vmem>>)
        %dma_wait3A_102 = arith.constant 0 : i32
        %dma_wait3A_103 = arith.constant 0 : i32
        %dma_wait3A_104 = tpu.memref_slice %arg9[%dma_wait3A_102, %dma_wait3A_103] : memref<8x128xi32, #tpu.memory_space<vmem>> -> memref<1x128xi32, #tpu.memory_space<vmem>>
        %dma_wait3A_105 = tpu.memref_squeeze %dma_wait3A_104 : memref<1x128xi32, #tpu.memory_space<vmem>> -> memref<128xi32, #tpu.memory_space<vmem>>
        %dma_wait3A_106 = arith.constant 0 : i32
        %dma_wait3A_107 = arith.constant 0 : i32
        %dma_wait3A_108 = tpu.memref_slice %arg7[%dma_wait3A_106, %dma_wait3A_107] : memref<10000x128xf32, #tpu.memory_space<vmem_shared>> -> memref<10000x128xf32, #tpu.memory_space<vmem_shared>>
        tpu.wait_indirect_dma semaphore(%arg14 : memref<!tpu.dma_semaphore, #tpu.memory_space<semaphore_mem>>) src(%arg10 : memref<128x128xf32, #tpu.memory_space<vmem>>) dst(%dma_wait3A_108 : memref<10000x128xf32, #tpu.memory_space<vmem_shared>>)
        %dma_start3A_109 = arith.constant 2 : i32
        %dma_start3A_110 = arith.constant 0 : i32
        %dma_start3A_111 = tpu.memref_slice %arg8[%dma_start3A_109, %dma_start3A_110] : memref<8x128xi32, #tpu.memory_space<vmem>> -> memref<1x128xi32, #tpu.memory_space<vmem>>
        %dma_start3A_112 = tpu.memref_squeeze %dma_start3A_111 : memref<1x128xi32, #tpu.memory_space<vmem>> -> memref<128xi32, #tpu.memory_space<vmem>>
        %dma_start3A_113 = arith.constant 0 : i32
        %dma_start3A_114 = arith.constant 0 : i32
        %dma_start3A_115 = tpu.memref_slice %arg4[%dma_start3A_113, %dma_start3A_114] : memref<20000x128xf32, #tpu.memory_space<hbm>> -> memref<20000x128xf32, #tpu.memory_space<hbm>>
        tpu.enqueue_indirect_dma source(%dma_start3A_115 : memref<20000x128xf32, #tpu.memory_space<hbm>>) target(%arg10 : memref<128x128xf32, #tpu.memory_space<vmem>>) offsets(%dma_start3A_112 : memref<128xi32, #tpu.memory_space<vmem>>) semaphore(%arg12 : memref<!tpu.dma_semaphore, #tpu.memory_space<semaphore_mem>>)
        %dma_start3A_116 = arith.constant 1 : i32
        %dma_start3A_117 = arith.constant 0 : i32
        %dma_start3A_118 = tpu.memref_slice %arg9[%dma_start3A_116, %dma_start3A_117] : memref<8x128xi32, #tpu.memory_space<vmem>> -> memref<1x128xi32, #tpu.memory_space<vmem>>
        %dma_start3A_119 = tpu.memref_squeeze %dma_start3A_118 : memref<1x128xi32, #tpu.memory_space<vmem>> -> memref<128xi32, #tpu.memory_space<vmem>>
        %dma_start3A_120 = arith.constant 0 : i32
        %dma_start3A_121 = arith.constant 0 : i32
        %dma_start3A_122 = tpu.memref_slice %arg7[%dma_start3A_120, %dma_start3A_121] : memref<10000x128xf32, #tpu.memory_space<vmem_shared>> -> memref<10000x128xf32, #tpu.memory_space<vmem_shared>>
        tpu.enqueue_indirect_dma source(%arg11 : memref<128x128xf32, #tpu.memory_space<vmem>>) target(%dma_start3A_122 : memref<10000x128xf32, #tpu.memory_space<vmem_shared>>) offsets(%dma_start3A_119 : memref<128xi32, #tpu.memory_space<vmem>>) semaphore(%arg14 : memref<!tpu.dma_semaphore, #tpu.memory_space<semaphore_mem>>) {add = true}
        %dma_wait3A_123 = arith.constant 2 : i32
        %dma_wait3A_124 = arith.constant 0 : i32
        %dma_wait3A_125 = tpu.memref_slice %arg8[%dma_wait3A_123, %dma_wait3A_124] : memref<8x128xi32, #tpu.memory_space<vmem>> -> memref<1x128xi32, #tpu.memory_space<vmem>>
        %dma_wait3A_126 = tpu.memref_squeeze %dma_wait3A_125 : memref<1x128xi32, #tpu.memory_space<vmem>> -> memref<128xi32, #tpu.memory_space<vmem>>
        %dma_wait3A_127 = arith.constant 0 : i32
        %dma_wait3A_128 = arith.constant 0 : i32
        %dma_wait3A_129 = tpu.memref_slice %arg4[%dma_wait3A_127, %dma_wait3A_128] : memref<20000x128xf32, #tpu.memory_space<hbm>> -> memref<20000x128xf32, #tpu.memory_space<hbm>>
        tpu.wait_indirect_dma semaphore(%arg12 : memref<!tpu.dma_semaphore, #tpu.memory_space<semaphore_mem>>) src(%dma_wait3A_129 : memref<20000x128xf32, #tpu.memory_space<hbm>>) dst(%arg10 : memref<128x128xf32, #tpu.memory_space<vmem>>)
        %dma_wait3A_130 = arith.constant 1 : i32
        %dma_wait3A_131 = arith.constant 0 : i32
        %dma_wait3A_132 = tpu.memref_slice %arg9[%dma_wait3A_130, %dma_wait3A_131] : memref<8x128xi32, #tpu.memory_space<vmem>> -> memref<1x128xi32, #tpu.memory_space<vmem>>
        %dma_wait3A_133 = tpu.memref_squeeze %dma_wait3A_132 : memref<1x128xi32, #tpu.memory_space<vmem>> -> memref<128xi32, #tpu.memory_space<vmem>>
        %dma_wait3A_134 = arith.constant 0 : i32
        %dma_wait3A_135 = arith.constant 0 : i32
        %dma_wait3A_136 = tpu.memref_slice %arg7[%dma_wait3A_134, %dma_wait3A_135] : memref<10000x128xf32, #tpu.memory_space<vmem_shared>> -> memref<10000x128xf32, #tpu.memory_space<vmem_shared>>
        tpu.wait_indirect_dma semaphore(%arg14 : memref<!tpu.dma_semaphore, #tpu.memory_space<semaphore_mem>>) src(%arg11 : memref<128x128xf32, #tpu.memory_space<vmem>>) dst(%dma_wait3A_136 : memref<10000x128xf32, #tpu.memory_space<vmem_shared>>)
        %dma_start3A_137 = arith.constant 3 : i32
        %dma_start3A_138 = arith.constant 0 : i32
        %dma_start3A_139 = tpu.memref_slice %arg8[%dma_start3A_137, %dma_start3A_138] : memref<8x128xi32, #tpu.memory_space<vmem>> -> memref<1x128xi32, #tpu.memory_space<vmem>>
        %dma_start3A_140 = tpu.memref_squeeze %dma_start3A_139 : memref<1x128xi32, #tpu.memory_space<vmem>> -> memref<128xi32, #tpu.memory_space<vmem>>
        %dma_start3A_141 = arith.constant 0 : i32
        %dma_start3A_142 = arith.constant 0 : i32
        %dma_start3A_143 = tpu.memref_slice %arg4[%dma_start3A_141, %dma_start3A_142] : memref<20000x128xf32, #tpu.memory_space<hbm>> -> memref<20000x128xf32, #tpu.memory_space<hbm>>
        tpu.enqueue_indirect_dma source(%dma_start3A_143 : memref<20000x128xf32, #tpu.memory_space<hbm>>) target(%arg11 : memref<128x128xf32, #tpu.memory_space<vmem>>) offsets(%dma_start3A_140 : memref<128xi32, #tpu.memory_space<vmem>>) semaphore(%arg13 : memref<!tpu.dma_semaphore, #tpu.memory_space<semaphore_mem>>)
        %dma_start3A_144 = arith.constant 2 : i32
        %dma_start3A_145 = arith.constant 0 : i32
        %dma_start3A_146 = tpu.memref_slice %arg9[%dma_start3A_144, %dma_start3A_145] : memref<8x128xi32, #tpu.memory_space<vmem>> -> memref<1x128xi32, #tpu.memory_space<vmem>>
        %dma_start3A_147 = tpu.memref_squeeze %dma_start3A_146 : memref<1x128xi32, #tpu.memory_space<vmem>> -> memref<128xi32, #tpu.memory_space<vmem>>
        %dma_start3A_148 = arith.constant 0 : i32
        %dma_start3A_149 = arith.constant 0 : i32
        %dma_start3A_150 = tpu.memref_slice %arg7[%dma_start3A_148, %dma_start3A_149] : memref<10000x128xf32, #tpu.memory_space<vmem_shared>> -> memref<10000x128xf32, #tpu.memory_space<vmem_shared>>
        tpu.enqueue_indirect_dma source(%arg10 : memref<128x128xf32, #tpu.memory_space<vmem>>) target(%dma_start3A_150 : memref<10000x128xf32, #tpu.memory_space<vmem_shared>>) offsets(%dma_start3A_147 : memref<128xi32, #tpu.memory_space<vmem>>) semaphore(%arg14 : memref<!tpu.dma_semaphore, #tpu.memory_space<semaphore_mem>>) {add = true}
        %dma_wait3A_151 = arith.constant 3 : i32
        %dma_wait3A_152 = arith.constant 0 : i32
        %dma_wait3A_153 = tpu.memref_slice %arg8[%dma_wait3A_151, %dma_wait3A_152] : memref<8x128xi32, #tpu.memory_space<vmem>> -> memref<1x128xi32, #tpu.memory_space<vmem>>
        %dma_wait3A_154 = tpu.memref_squeeze %dma_wait3A_153 : memref<1x128xi32, #tpu.memory_space<vmem>> -> memref<128xi32, #tpu.memory_space<vmem>>
        %dma_wait3A_155 = arith.constant 0 : i32
        %dma_wait3A_156 = arith.constant 0 : i32
        %dma_wait3A_157 = tpu.memref_slice %arg4[%dma_wait3A_155, %dma_wait3A_156] : memref<20000x128xf32, #tpu.memory_space<hbm>> -> memref<20000x128xf32, #tpu.memory_space<hbm>>
        tpu.wait_indirect_dma semaphore(%arg13 : memref<!tpu.dma_semaphore, #tpu.memory_space<semaphore_mem>>) src(%dma_wait3A_157 : memref<20000x128xf32, #tpu.memory_space<hbm>>) dst(%arg11 : memref<128x128xf32, #tpu.memory_space<vmem>>)
        %dma_wait3A_158 = arith.constant 2 : i32
        %dma_wait3A_159 = arith.constant 0 : i32
        %dma_wait3A_160 = tpu.memref_slice %arg9[%dma_wait3A_158, %dma_wait3A_159] : memref<8x128xi32, #tpu.memory_space<vmem>> -> memref<1x128xi32, #tpu.memory_space<vmem>>
        %dma_wait3A_161 = tpu.memref_squeeze %dma_wait3A_160 : memref<1x128xi32, #tpu.memory_space<vmem>> -> memref<128xi32, #tpu.memory_space<vmem>>
        %dma_wait3A_162 = arith.constant 0 : i32
        %dma_wait3A_163 = arith.constant 0 : i32
        %dma_wait3A_164 = tpu.memref_slice %arg7[%dma_wait3A_162, %dma_wait3A_163] : memref<10000x128xf32, #tpu.memory_space<vmem_shared>> -> memref<10000x128xf32, #tpu.memory_space<vmem_shared>>
        tpu.wait_indirect_dma semaphore(%arg14 : memref<!tpu.dma_semaphore, #tpu.memory_space<semaphore_mem>>) src(%arg10 : memref<128x128xf32, #tpu.memory_space<vmem>>) dst(%dma_wait3A_164 : memref<10000x128xf32, #tpu.memory_space<vmem_shared>>)
        %dma_start3A_165 = arith.constant 4 : i32
        %dma_start3A_166 = arith.constant 0 : i32
        %dma_start3A_167 = tpu.memref_slice %arg8[%dma_start3A_165, %dma_start3A_166] : memref<8x128xi32, #tpu.memory_space<vmem>> -> memref<1x128xi32, #tpu.memory_space<vmem>>
        %dma_start3A_168 = tpu.memref_squeeze %dma_start3A_167 : memref<1x128xi32, #tpu.memory_space<vmem>> -> memref<128xi32, #tpu.memory_space<vmem>>
        %dma_start3A_169 = arith.constant 0 : i32
        %dma_start3A_170 = arith.constant 0 : i32
        %dma_start3A_171 = tpu.memref_slice %arg4[%dma_start3A_169, %dma_start3A_170] : memref<20000x128xf32, #tpu.memory_space<hbm>> -> memref<20000x128xf32, #tpu.memory_space<hbm>>
        tpu.enqueue_indirect_dma source(%dma_start3A_171 : memref<20000x128xf32, #tpu.memory_space<hbm>>) target(%arg10 : memref<128x128xf32, #tpu.memory_space<vmem>>) offsets(%dma_start3A_168 : memref<128xi32, #tpu.memory_space<vmem>>) semaphore(%arg12 : memref<!tpu.dma_semaphore, #tpu.memory_space<semaphore_mem>>)
        %dma_start3A_172 = arith.constant 3 : i32
        %dma_start3A_173 = arith.constant 0 : i32
        %dma_start3A_174 = tpu.memref_slice %arg9[%dma_start3A_172, %dma_start3A_173] : memref<8x128xi32, #tpu.memory_space<vmem>> -> memref<1x128xi32, #tpu.memory_space<vmem>>
        %dma_start3A_175 = tpu.memref_squeeze %dma_start3A_174 : memref<1x128xi32, #tpu.memory_space<vmem>> -> memref<128xi32, #tpu.memory_space<vmem>>
        %dma_start3A_176 = arith.constant 0 : i32
        %dma_start3A_177 = arith.constant 0 : i32
        %dma_start3A_178 = tpu.memref_slice %arg7[%dma_start3A_176, %dma_start3A_177] : memref<10000x128xf32, #tpu.memory_space<vmem_shared>> -> memref<10000x128xf32, #tpu.memory_space<vmem_shared>>
        tpu.enqueue_indirect_dma source(%arg11 : memref<128x128xf32, #tpu.memory_space<vmem>>) target(%dma_start3A_178 : memref<10000x128xf32, #tpu.memory_space<vmem_shared>>) offsets(%dma_start3A_175 : memref<128xi32, #tpu.memory_space<vmem>>) semaphore(%arg14 : memref<!tpu.dma_semaphore, #tpu.memory_space<semaphore_mem>>) {add = true}
        %dma_wait3A_179 = arith.constant 4 : i32
        %dma_wait3A_180 = arith.constant 0 : i32
        %dma_wait3A_181 = tpu.memref_slice %arg8[%dma_wait3A_179, %dma_wait3A_180] : memref<8x128xi32, #tpu.memory_space<vmem>> -> memref<1x128xi32, #tpu.memory_space<vmem>>
        %dma_wait3A_182 = tpu.memref_squeeze %dma_wait3A_181 : memref<1x128xi32, #tpu.memory_space<vmem>> -> memref<128xi32, #tpu.memory_space<vmem>>
        %dma_wait3A_183 = arith.constant 0 : i32
        %dma_wait3A_184 = arith.constant 0 : i32
        %dma_wait3A_185 = tpu.memref_slice %arg4[%dma_wait3A_183, %dma_wait3A_184] : memref<20000x128xf32, #tpu.memory_space<hbm>> -> memref<20000x128xf32, #tpu.memory_space<hbm>>
        tpu.wait_indirect_dma semaphore(%arg12 : memref<!tpu.dma_semaphore, #tpu.memory_space<semaphore_mem>>) src(%dma_wait3A_185 : memref<20000x128xf32, #tpu.memory_space<hbm>>) dst(%arg10 : memref<128x128xf32, #tpu.memory_space<vmem>>)
        %dma_wait3A_186 = arith.constant 3 : i32
        %dma_wait3A_187 = arith.constant 0 : i32
        %dma_wait3A_188 = tpu.memref_slice %arg9[%dma_wait3A_186, %dma_wait3A_187] : memref<8x128xi32, #tpu.memory_space<vmem>> -> memref<1x128xi32, #tpu.memory_space<vmem>>
        %dma_wait3A_189 = tpu.memref_squeeze %dma_wait3A_188 : memref<1x128xi32, #tpu.memory_space<vmem>> -> memref<128xi32, #tpu.memory_space<vmem>>
        %dma_wait3A_190 = arith.constant 0 : i32
        %dma_wait3A_191 = arith.constant 0 : i32
        %dma_wait3A_192 = tpu.memref_slice %arg7[%dma_wait3A_190, %dma_wait3A_191] : memref<10000x128xf32, #tpu.memory_space<vmem_shared>> -> memref<10000x128xf32, #tpu.memory_space<vmem_shared>>
        tpu.wait_indirect_dma semaphore(%arg14 : memref<!tpu.dma_semaphore, #tpu.memory_space<semaphore_mem>>) src(%arg11 : memref<128x128xf32, #tpu.memory_space<vmem>>) dst(%dma_wait3A_192 : memref<10000x128xf32, #tpu.memory_space<vmem_shared>>)
        %dma_start3A_193 = arith.constant 5 : i32
        %dma_start3A_194 = arith.constant 0 : i32
        %dma_start3A_195 = tpu.memref_slice %arg8[%dma_start3A_193, %dma_start3A_194] : memref<8x128xi32, #tpu.memory_space<vmem>> -> memref<1x128xi32, #tpu.memory_space<vmem>>
        %dma_start3A_196 = tpu.memref_squeeze %dma_start3A_195 : memref<1x128xi32, #tpu.memory_space<vmem>> -> memref<128xi32, #tpu.memory_space<vmem>>
        %dma_start3A_197 = arith.constant 0 : i32
        %dma_start3A_198 = arith.constant 0 : i32
        %dma_start3A_199 = tpu.memref_slice %arg4[%dma_start3A_197, %dma_start3A_198] : memref<20000x128xf32, #tpu.memory_space<hbm>> -> memref<20000x128xf32, #tpu.memory_space<hbm>>
        tpu.enqueue_indirect_dma source(%dma_start3A_199 : memref<20000x128xf32, #tpu.memory_space<hbm>>) target(%arg11 : memref<128x128xf32, #tpu.memory_space<vmem>>) offsets(%dma_start3A_196 : memref<128xi32, #tpu.memory_space<vmem>>) semaphore(%arg13 : memref<!tpu.dma_semaphore, #tpu.memory_space<semaphore_mem>>)
        %dma_start3A_200 = arith.constant 4 : i32
        %dma_start3A_201 = arith.constant 0 : i32
        %dma_start3A_202 = tpu.memref_slice %arg9[%dma_start3A_200, %dma_start3A_201] : memref<8x128xi32, #tpu.memory_space<vmem>> -> memref<1x128xi32, #tpu.memory_space<vmem>>
        %dma_start3A_203 = tpu.memref_squeeze %dma_start3A_202 : memref<1x128xi32, #tpu.memory_space<vmem>> -> memref<128xi32, #tpu.memory_space<vmem>>
        %dma_start3A_204 = arith.constant 0 : i32
        %dma_start3A_205 = arith.constant 0 : i32
        %dma_start3A_206 = tpu.memref_slice %arg7[%dma_start3A_204, %dma_start3A_205] : memref<10000x128xf32, #tpu.memory_space<vmem_shared>> -> memref<10000x128xf32, #tpu.memory_space<vmem_shared>>
        tpu.enqueue_indirect_dma source(%arg10 : memref<128x128xf32, #tpu.memory_space<vmem>>) target(%dma_start3A_206 : memref<10000x128xf32, #tpu.memory_space<vmem_shared>>) offsets(%dma_start3A_203 : memref<128xi32, #tpu.memory_space<vmem>>) semaphore(%arg14 : memref<!tpu.dma_semaphore, #tpu.memory_space<semaphore_mem>>) {add = true}
        %dma_wait3A_207 = arith.constant 5 : i32
        %dma_wait3A_208 = arith.constant 0 : i32
        %dma_wait3A_209 = tpu.memref_slice %arg8[%dma_wait3A_207, %dma_wait3A_208] : memref<8x128xi32, #tpu.memory_space<vmem>> -> memref<1x128xi32, #tpu.memory_space<vmem>>
        %dma_wait3A_210 = tpu.memref_squeeze %dma_wait3A_209 : memref<1x128xi32, #tpu.memory_space<vmem>> -> memref<128xi32, #tpu.memory_space<vmem>>
        %dma_wait3A_211 = arith.constant 0 : i32
        %dma_wait3A_212 = arith.constant 0 : i32
        %dma_wait3A_213 = tpu.memref_slice %arg4[%dma_wait3A_211, %dma_wait3A_212] : memref<20000x128xf32, #tpu.memory_space<hbm>> -> memref<20000x128xf32, #tpu.memory_space<hbm>>
        tpu.wait_indirect_dma semaphore(%arg13 : memref<!tpu.dma_semaphore, #tpu.memory_space<semaphore_mem>>) src(%dma_wait3A_213 : memref<20000x128xf32, #tpu.memory_space<hbm>>) dst(%arg11 : memref<128x128xf32, #tpu.memory_space<vmem>>)
        %dma_wait3A_214 = arith.constant 4 : i32
        %dma_wait3A_215 = arith.constant 0 : i32
        %dma_wait3A_216 = tpu.memref_slice %arg9[%dma_wait3A_214, %dma_wait3A_215] : memref<8x128xi32, #tpu.memory_space<vmem>> -> memref<1x128xi32, #tpu.memory_space<vmem>>
        %dma_wait3A_217 = tpu.memref_squeeze %dma_wait3A_216 : memref<1x128xi32, #tpu.memory_space<vmem>> -> memref<128xi32, #tpu.memory_space<vmem>>
        %dma_wait3A_218 = arith.constant 0 : i32
        %dma_wait3A_219 = arith.constant 0 : i32
        %dma_wait3A_220 = tpu.memref_slice %arg7[%dma_wait3A_218, %dma_wait3A_219] : memref<10000x128xf32, #tpu.memory_space<vmem_shared>> -> memref<10000x128xf32, #tpu.memory_space<vmem_shared>>
        tpu.wait_indirect_dma semaphore(%arg14 : memref<!tpu.dma_semaphore, #tpu.memory_space<semaphore_mem>>) src(%arg10 : memref<128x128xf32, #tpu.memory_space<vmem>>) dst(%dma_wait3A_220 : memref<10000x128xf32, #tpu.memory_space<vmem_shared>>)
        %dma_start3A_221 = arith.constant 6 : i32
        %dma_start3A_222 = arith.constant 0 : i32
        %dma_start3A_223 = tpu.memref_slice %arg8[%dma_start3A_221, %dma_start3A_222] : memref<8x128xi32, #tpu.memory_space<vmem>> -> memref<1x128xi32, #tpu.memory_space<vmem>>
        %dma_start3A_224 = tpu.memref_squeeze %dma_start3A_223 : memref<1x128xi32, #tpu.memory_space<vmem>> -> memref<128xi32, #tpu.memory_space<vmem>>
        %dma_start3A_225 = arith.constant 0 : i32
        %dma_start3A_226 = arith.constant 0 : i32
        %dma_start3A_227 = tpu.memref_slice %arg4[%dma_start3A_225, %dma_start3A_226] : memref<20000x128xf32, #tpu.memory_space<hbm>> -> memref<20000x128xf32, #tpu.memory_space<hbm>>
        tpu.enqueue_indirect_dma source(%dma_start3A_227 : memref<20000x128xf32, #tpu.memory_space<hbm>>) target(%arg10 : memref<128x128xf32, #tpu.memory_space<vmem>>) offsets(%dma_start3A_224 : memref<128xi32, #tpu.memory_space<vmem>>) semaphore(%arg12 : memref<!tpu.dma_semaphore, #tpu.memory_space<semaphore_mem>>)
        %dma_start3A_228 = arith.constant 5 : i32
        %dma_start3A_229 = arith.constant 0 : i32
        %dma_start3A_230 = tpu.memref_slice %arg9[%dma_start3A_228, %dma_start3A_229] : memref<8x128xi32, #tpu.memory_space<vmem>> -> memref<1x128xi32, #tpu.memory_space<vmem>>
        %dma_start3A_231 = tpu.memref_squeeze %dma_start3A_230 : memref<1x128xi32, #tpu.memory_space<vmem>> -> memref<128xi32, #tpu.memory_space<vmem>>
        %dma_start3A_232 = arith.constant 0 : i32
        %dma_start3A_233 = arith.constant 0 : i32
        %dma_start3A_234 = tpu.memref_slice %arg7[%dma_start3A_232, %dma_start3A_233] : memref<10000x128xf32, #tpu.memory_space<vmem_shared>> -> memref<10000x128xf32, #tpu.memory_space<vmem_shared>>
        tpu.enqueue_indirect_dma source(%arg11 : memref<128x128xf32, #tpu.memory_space<vmem>>) target(%dma_start3A_234 : memref<10000x128xf32, #tpu.memory_space<vmem_shared>>) offsets(%dma_start3A_231 : memref<128xi32, #tpu.memory_space<vmem>>) semaphore(%arg14 : memref<!tpu.dma_semaphore, #tpu.memory_space<semaphore_mem>>) {add = true}
        %dma_wait3A_235 = arith.constant 6 : i32
        %dma_wait3A_236 = arith.constant 0 : i32
        %dma_wait3A_237 = tpu.memref_slice %arg8[%dma_wait3A_235, %dma_wait3A_236] : memref<8x128xi32, #tpu.memory_space<vmem>> -> memref<1x128xi32, #tpu.memory_space<vmem>>
        %dma_wait3A_238 = tpu.memref_squeeze %dma_wait3A_237 : memref<1x128xi32, #tpu.memory_space<vmem>> -> memref<128xi32, #tpu.memory_space<vmem>>
        %dma_wait3A_239 = arith.constant 0 : i32
        %dma_wait3A_240 = arith.constant 0 : i32
        %dma_wait3A_241 = tpu.memref_slice %arg4[%dma_wait3A_239, %dma_wait3A_240] : memref<20000x128xf32, #tpu.memory_space<hbm>> -> memref<20000x128xf32, #tpu.memory_space<hbm>>
        tpu.wait_indirect_dma semaphore(%arg12 : memref<!tpu.dma_semaphore, #tpu.memory_space<semaphore_mem>>) src(%dma_wait3A_241 : memref<20000x128xf32, #tpu.memory_space<hbm>>) dst(%arg10 : memref<128x128xf32, #tpu.memory_space<vmem>>)
        %dma_wait3A_242 = arith.constant 5 : i32
        %dma_wait3A_243 = arith.constant 0 : i32
        %dma_wait3A_244 = tpu.memref_slice %arg9[%dma_wait3A_242, %dma_wait3A_243] : memref<8x128xi32, #tpu.memory_space<vmem>> -> memref<1x128xi32, #tpu.memory_space<vmem>>
        %dma_wait3A_245 = tpu.memref_squeeze %dma_wait3A_244 : memref<1x128xi32, #tpu.memory_space<vmem>> -> memref<128xi32, #tpu.memory_space<vmem>>
        %dma_wait3A_246 = arith.constant 0 : i32
        %dma_wait3A_247 = arith.constant 0 : i32
        %dma_wait3A_248 = tpu.memref_slice %arg7[%dma_wait3A_246, %dma_wait3A_247] : memref<10000x128xf32, #tpu.memory_space<vmem_shared>> -> memref<10000x128xf32, #tpu.memory_space<vmem_shared>>
        tpu.wait_indirect_dma semaphore(%arg14 : memref<!tpu.dma_semaphore, #tpu.memory_space<semaphore_mem>>) src(%arg11 : memref<128x128xf32, #tpu.memory_space<vmem>>) dst(%dma_wait3A_248 : memref<10000x128xf32, #tpu.memory_space<vmem_shared>>)
        %dma_start3A_249 = arith.constant 7 : i32
        %dma_start3A_250 = arith.constant 0 : i32
        %dma_start3A_251 = tpu.memref_slice %arg8[%dma_start3A_249, %dma_start3A_250] : memref<8x128xi32, #tpu.memory_space<vmem>> -> memref<1x128xi32, #tpu.memory_space<vmem>>
        %dma_start3A_252 = tpu.memref_squeeze %dma_start3A_251 : memref<1x128xi32, #tpu.memory_space<vmem>> -> memref<128xi32, #tpu.memory_space<vmem>>
        %dma_start3A_253 = arith.constant 0 : i32
        %dma_start3A_254 = arith.constant 0 : i32
        %dma_start3A_255 = tpu.memref_slice %arg4[%dma_start3A_253, %dma_start3A_254] : memref<20000x128xf32, #tpu.memory_space<hbm>> -> memref<20000x128xf32, #tpu.memory_space<hbm>>
        tpu.enqueue_indirect_dma source(%dma_start3A_255 : memref<20000x128xf32, #tpu.memory_space<hbm>>) target(%arg11 : memref<128x128xf32, #tpu.memory_space<vmem>>) offsets(%dma_start3A_252 : memref<128xi32, #tpu.memory_space<vmem>>) semaphore(%arg13 : memref<!tpu.dma_semaphore, #tpu.memory_space<semaphore_mem>>)
        %dma_start3A_256 = arith.constant 6 : i32
        %dma_start3A_257 = arith.constant 0 : i32
        %dma_start3A_258 = tpu.memref_slice %arg9[%dma_start3A_256, %dma_start3A_257] : memref<8x128xi32, #tpu.memory_space<vmem>> -> memref<1x128xi32, #tpu.memory_space<vmem>>
        %dma_start3A_259 = tpu.memref_squeeze %dma_start3A_258 : memref<1x128xi32, #tpu.memory_space<vmem>> -> memref<128xi32, #tpu.memory_space<vmem>>
        %dma_start3A_260 = arith.constant 0 : i32
        %dma_start3A_261 = arith.constant 0 : i32
        %dma_start3A_262 = tpu.memref_slice %arg7[%dma_start3A_260, %dma_start3A_261] : memref<10000x128xf32, #tpu.memory_space<vmem_shared>> -> memref<10000x128xf32, #tpu.memory_space<vmem_shared>>
        tpu.enqueue_indirect_dma source(%arg10 : memref<128x128xf32, #tpu.memory_space<vmem>>) target(%dma_start3A_262 : memref<10000x128xf32, #tpu.memory_space<vmem_shared>>) offsets(%dma_start3A_259 : memref<128xi32, #tpu.memory_space<vmem>>) semaphore(%arg14 : memref<!tpu.dma_semaphore, #tpu.memory_space<semaphore_mem>>) {add = true}
        %dma_wait3A_263 = arith.constant 7 : i32
        %dma_wait3A_264 = arith.constant 0 : i32
        %dma_wait3A_265 = tpu.memref_slice %arg8[%dma_wait3A_263, %dma_wait3A_264] : memref<8x128xi32, #tpu.memory_space<vmem>> -> memref<1x128xi32, #tpu.memory_space<vmem>>
        %dma_wait3A_266 = tpu.memref_squeeze %dma_wait3A_265 : memref<1x128xi32, #tpu.memory_space<vmem>> -> memref<128xi32, #tpu.memory_space<vmem>>
        %dma_wait3A_267 = arith.constant 0 : i32
        %dma_wait3A_268 = arith.constant 0 : i32
        %dma_wait3A_269 = tpu.memref_slice %arg4[%dma_wait3A_267, %dma_wait3A_268] : memref<20000x128xf32, #tpu.memory_space<hbm>> -> memref<20000x128xf32, #tpu.memory_space<hbm>>
        tpu.wait_indirect_dma semaphore(%arg13 : memref<!tpu.dma_semaphore, #tpu.memory_space<semaphore_mem>>) src(%dma_wait3A_269 : memref<20000x128xf32, #tpu.memory_space<hbm>>) dst(%arg11 : memref<128x128xf32, #tpu.memory_space<vmem>>)
        %dma_start3A_270 = arith.constant 7 : i32
        %dma_start3A_271 = arith.constant 0 : i32
        %dma_start3A_272 = tpu.memref_slice %arg9[%dma_start3A_270, %dma_start3A_271] : memref<8x128xi32, #tpu.memory_space<vmem>> -> memref<1x128xi32, #tpu.memory_space<vmem>>
        %dma_start3A_273 = tpu.memref_squeeze %dma_start3A_272 : memref<1x128xi32, #tpu.memory_space<vmem>> -> memref<128xi32, #tpu.memory_space<vmem>>
        %dma_start3A_274 = arith.constant 0 : i32
        %dma_start3A_275 = arith.constant 0 : i32
        %dma_start3A_276 = tpu.memref_slice %arg7[%dma_start3A_274, %dma_start3A_275] : memref<10000x128xf32, #tpu.memory_space<vmem_shared>> -> memref<10000x128xf32, #tpu.memory_space<vmem_shared>>
        tpu.enqueue_indirect_dma source(%arg11 : memref<128x128xf32, #tpu.memory_space<vmem>>) target(%dma_start3A_276 : memref<10000x128xf32, #tpu.memory_space<vmem_shared>>) offsets(%dma_start3A_273 : memref<128xi32, #tpu.memory_space<vmem>>) semaphore(%arg14 : memref<!tpu.dma_semaphore, #tpu.memory_space<semaphore_mem>>) {add = true}
        %dma_wait3A_277 = arith.constant 6 : i32
        %dma_wait3A_278 = arith.constant 0 : i32
        %dma_wait3A_279 = tpu.memref_slice %arg9[%dma_wait3A_277, %dma_wait3A_278] : memref<8x128xi32, #tpu.memory_space<vmem>> -> memref<1x128xi32, #tpu.memory_space<vmem>>
        %dma_wait3A_280 = tpu.memref_squeeze %dma_wait3A_279 : memref<1x128xi32, #tpu.memory_space<vmem>> -> memref<128xi32, #tpu.memory_space<vmem>>
        %dma_wait3A_281 = arith.constant 0 : i32
        %dma_wait3A_282 = arith.constant 0 : i32
        %dma_wait3A_283 = tpu.memref_slice %arg7[%dma_wait3A_281, %dma_wait3A_282] : memref<10000x128xf32, #tpu.memory_space<vmem_shared>> -> memref<10000x128xf32, #tpu.memory_space<vmem_shared>>
        tpu.wait_indirect_dma semaphore(%arg14 : memref<!tpu.dma_semaphore, #tpu.memory_space<semaphore_mem>>) src(%arg10 : memref<128x128xf32, #tpu.memory_space<vmem>>) dst(%dma_wait3A_283 : memref<10000x128xf32, #tpu.memory_space<vmem_shared>>)
        %dma_wait3A_284 = arith.constant 7 : i32
        %dma_wait3A_285 = arith.constant 0 : i32
        %dma_wait3A_286 = tpu.memref_slice %arg9[%dma_wait3A_284, %dma_wait3A_285] : memref<8x128xi32, #tpu.memory_space<vmem>> -> memref<1x128xi32, #tpu.memory_space<vmem>>
        %dma_wait3A_287 = tpu.memref_squeeze %dma_wait3A_286 : memref<1x128xi32, #tpu.memory_space<vmem>> -> memref<128xi32, #tpu.memory_space<vmem>>
        %dma_wait3A_288 = arith.constant 0 : i32
        %dma_wait3A_289 = arith.constant 0 : i32
        %dma_wait3A_290 = tpu.memref_slice %arg7[%dma_wait3A_288, %dma_wait3A_289] : memref<10000x128xf32, #tpu.memory_space<vmem_shared>> -> memref<10000x128xf32, #tpu.memory_space<vmem_shared>>
        tpu.wait_indirect_dma semaphore(%arg14 : memref<!tpu.dma_semaphore, #tpu.memory_space<semaphore_mem>>) src(%arg11 : memref<128x128xf32, #tpu.memory_space<vmem>>) dst(%dma_wait3A_290 : memref<10000x128xf32, #tpu.memory_space<vmem_shared>>)
      } else {
      }
    }
    %scan3A_13 = arith.constant 10 : i32
    %eq3A = arith.constant 0 : i32
    %eq3A_14 = arith.cmpi eq, %arg1, %eq3A : i32
    %convert_element_type3A = arith.extui %eq3A_14 : i1 to i32
    %cond3A = arith.constant 0 : i32
    %cond3A_15 = arith.cmpi ne, %convert_element_type3A, %cond3A : i32
    scf.if %cond3A_15 {
      "tpu.region"() ({
        %run_scoped3A_58 = tpu.sem_alloc : memref<!tpu.dma_semaphore, #tpu.memory_space<semaphore_mem>>
        %dma_start3A = arith.constant 0 : i32
        %dma_start3A_59 = arith.constant 0 : i32
        %dma_start3A_60 = tpu.memref_slice %arg8[%dma_start3A, %dma_start3A_59] : memref<8x128xi32, #tpu.memory_space<vmem>> -> memref<2x128xi32, #tpu.memory_space<vmem>>
        %dma_start3A_61 = arith.constant 1248 : i32
        %dma_start3A_62 = arith.constant 0 : i32
        %dma_start3A_63 = tpu.memref_slice %arg2[%arg0, %dma_start3A_61, %dma_start3A_62] : memref<2x1250x128xi32, #tpu.memory_space<hbm>> -> memref<1x2x128xi32, #tpu.memory_space<hbm>>
        %dma_start3A_64 = tpu.memref_squeeze %dma_start3A_63 : memref<1x2x128xi32, #tpu.memory_space<hbm>> -> memref<2x128xi32, #tpu.memory_space<hbm>>
        %dma_start3A_65 = arith.constant 0 : i32
        %dma_start3A_66 = arith.constant 0 : i32
        %dma_start3A_67 = tpu.memref_slice %arg8[%dma_start3A_65, %dma_start3A_66] : memref<8x128xi32, #tpu.memory_space<vmem>> -> memref<2x128xi32, #tpu.memory_space<vmem>>
        %dma_start3A_68 = arith.constant 1248 : i32
        %dma_start3A_69 = arith.constant 0 : i32
        %dma_start3A_70 = tpu.memref_slice %arg2[%arg0, %dma_start3A_68, %dma_start3A_69] : memref<2x1250x128xi32, #tpu.memory_space<hbm>> -> memref<1x2x128xi32, #tpu.memory_space<hbm>>
        %dma_start3A_71 = tpu.memref_squeeze %dma_start3A_70 : memref<1x2x128xi32, #tpu.memory_space<hbm>> -> memref<2x128xi32, #tpu.memory_space<hbm>>
        tpu.enqueue_dma source(%dma_start3A_71 : memref<2x128xi32, #tpu.memory_space<hbm>>) target(%dma_start3A_67 : memref<2x128xi32, #tpu.memory_space<vmem>>) target_semaphore(%run_scoped3A_58 : memref<!tpu.dma_semaphore, #tpu.memory_space<semaphore_mem>>)
        %dma_wait3A = arith.constant 0 : i32
        %dma_wait3A_72 = arith.constant 0 : i32
        %dma_wait3A_73 = tpu.memref_slice %arg8[%dma_wait3A, %dma_wait3A_72] : memref<8x128xi32, #tpu.memory_space<vmem>> -> memref<2x128xi32, #tpu.memory_space<vmem>>
        %dma_wait3A_74 = arith.constant 1248 : i32
        %dma_wait3A_75 = arith.constant 0 : i32
        %dma_wait3A_76 = tpu.memref_slice %arg2[%arg0, %dma_wait3A_74, %dma_wait3A_75] : memref<2x1250x128xi32, #tpu.memory_space<hbm>> -> memref<1x2x128xi32, #tpu.memory_space<hbm>>
        %dma_wait3A_77 = tpu.memref_squeeze %dma_wait3A_76 : memref<1x2x128xi32, #tpu.memory_space<hbm>> -> memref<2x128xi32, #tpu.memory_space<hbm>>
        %dma_wait3A_78 = arith.constant 0 : i32
        %dma_wait3A_79 = arith.constant 0 : i32
        %dma_wait3A_80 = tpu.memref_slice %arg8[%dma_wait3A_78, %dma_wait3A_79] : memref<8x128xi32, #tpu.memory_space<vmem>> -> memref<2x128xi32, #tpu.memory_space<vmem>>
        %dma_wait3A_81 = arith.constant 1248 : i32
        %dma_wait3A_82 = arith.constant 0 : i32
        %dma_wait3A_83 = tpu.memref_slice %arg2[%arg0, %dma_wait3A_81, %dma_wait3A_82] : memref<2x1250x128xi32, #tpu.memory_space<hbm>> -> memref<1x2x128xi32, #tpu.memory_space<hbm>>
        %dma_wait3A_84 = tpu.memref_squeeze %dma_wait3A_83 : memref<1x2x128xi32, #tpu.memory_space<hbm>> -> memref<2x128xi32, #tpu.memory_space<hbm>>
        tpu.wait_dma2 semaphore(%run_scoped3A_58 : memref<!tpu.dma_semaphore, #tpu.memory_space<semaphore_mem>>) src(%dma_wait3A_84 : memref<2x128xi32, #tpu.memory_space<hbm>>) dst(%dma_wait3A_80 : memref<2x128xi32, #tpu.memory_space<vmem>>)
        tpu.yield
      }) : () -> ()
      "tpu.region"() ({
        %run_scoped3A_58 = tpu.sem_alloc : memref<!tpu.dma_semaphore, #tpu.memory_space<semaphore_mem>>
        %dma_start3A = arith.constant 0 : i32
        %dma_start3A_59 = arith.constant 0 : i32
        %dma_start3A_60 = tpu.memref_slice %arg9[%dma_start3A, %dma_start3A_59] : memref<8x128xi32, #tpu.memory_space<vmem>> -> memref<2x128xi32, #tpu.memory_space<vmem>>
        %dma_start3A_61 = arith.constant 1248 : i32
        %dma_start3A_62 = arith.constant 0 : i32
        %dma_start3A_63 = tpu.memref_slice %arg3[%arg0, %dma_start3A_61, %dma_start3A_62] : memref<2x1250x128xi32, #tpu.memory_space<hbm>> -> memref<1x2x128xi32, #tpu.memory_space<hbm>>
        %dma_start3A_64 = tpu.memref_squeeze %dma_start3A_63 : memref<1x2x128xi32, #tpu.memory_space<hbm>> -> memref<2x128xi32, #tpu.memory_space<hbm>>
        %dma_start3A_65 = arith.constant 0 : i32
        %dma_start3A_66 = arith.constant 0 : i32
        %dma_start3A_67 = tpu.memref_slice %arg9[%dma_start3A_65, %dma_start3A_66] : memref<8x128xi32, #tpu.memory_space<vmem>> -> memref<2x128xi32, #tpu.memory_space<vmem>>
        %dma_start3A_68 = arith.constant 1248 : i32
        %dma_start3A_69 = arith.constant 0 : i32
        %dma_start3A_70 = tpu.memref_slice %arg3[%arg0, %dma_start3A_68, %dma_start3A_69] : memref<2x1250x128xi32, #tpu.memory_space<hbm>> -> memref<1x2x128xi32, #tpu.memory_space<hbm>>
        %dma_start3A_71 = tpu.memref_squeeze %dma_start3A_70 : memref<1x2x128xi32, #tpu.memory_space<hbm>> -> memref<2x128xi32, #tpu.memory_space<hbm>>
        tpu.enqueue_dma source(%dma_start3A_71 : memref<2x128xi32, #tpu.memory_space<hbm>>) target(%dma_start3A_67 : memref<2x128xi32, #tpu.memory_space<vmem>>) target_semaphore(%run_scoped3A_58 : memref<!tpu.dma_semaphore, #tpu.memory_space<semaphore_mem>>)
        %dma_wait3A = arith.constant 0 : i32
        %dma_wait3A_72 = arith.constant 0 : i32
        %dma_wait3A_73 = tpu.memref_slice %arg9[%dma_wait3A, %dma_wait3A_72] : memref<8x128xi32, #tpu.memory_space<vmem>> -> memref<2x128xi32, #tpu.memory_space<vmem>>
        %dma_wait3A_74 = arith.constant 1248 : i32
        %dma_wait3A_75 = arith.constant 0 : i32
        %dma_wait3A_76 = tpu.memref_slice %arg3[%arg0, %dma_wait3A_74, %dma_wait3A_75] : memref<2x1250x128xi32, #tpu.memory_space<hbm>> -> memref<1x2x128xi32, #tpu.memory_space<hbm>>
        %dma_wait3A_77 = tpu.memref_squeeze %dma_wait3A_76 : memref<1x2x128xi32, #tpu.memory_space<hbm>> -> memref<2x128xi32, #tpu.memory_space<hbm>>
        %dma_wait3A_78 = arith.constant 0 : i32
        %dma_wait3A_79 = arith.constant 0 : i32
        %dma_wait3A_80 = tpu.memref_slice %arg9[%dma_wait3A_78, %dma_wait3A_79] : memref<8x128xi32, #tpu.memory_space<vmem>> -> memref<2x128xi32, #tpu.memory_space<vmem>>
        %dma_wait3A_81 = arith.constant 1248 : i32
        %dma_wait3A_82 = arith.constant 0 : i32
        %dma_wait3A_83 = tpu.memref_slice %arg3[%arg0, %dma_wait3A_81, %dma_wait3A_82] : memref<2x1250x128xi32, #tpu.memory_space<hbm>> -> memref<1x2x128xi32, #tpu.memory_space<hbm>>
        %dma_wait3A_84 = tpu.memref_squeeze %dma_wait3A_83 : memref<1x2x128xi32, #tpu.memory_space<hbm>> -> memref<2x128xi32, #tpu.memory_space<hbm>>
        tpu.wait_dma2 semaphore(%run_scoped3A_58 : memref<!tpu.dma_semaphore, #tpu.memory_space<semaphore_mem>>) src(%dma_wait3A_84 : memref<2x128xi32, #tpu.memory_space<hbm>>) dst(%dma_wait3A_80 : memref<2x128xi32, #tpu.memory_space<vmem>>)
        tpu.yield
      }) : () -> ()
      %run_scoped3A = arith.constant 0 : i32
      "tpu.region"() ({
        %run_scoped3A_58 = tpu.sem_alloc : memref<!tpu.dma_semaphore, #tpu.memory_space<semaphore_mem>>
        %dma_start3A = arith.constant 0 : i32
        %dma_start3A_59 = tpu.memref_slice %arg8[%run_scoped3A, %dma_start3A] : memref<8x128xi32, #tpu.memory_space<vmem>> -> memref<1x128xi32, #tpu.memory_space<vmem>>
        %dma_start3A_60 = tpu.memref_squeeze %dma_start3A_59 : memref<1x128xi32, #tpu.memory_space<vmem>> -> memref<128xi32, #tpu.memory_space<vmem>>
        %dma_start3A_61 = arith.constant 0 : i32
        %dma_start3A_62 = arith.constant 0 : i32
        %dma_start3A_63 = tpu.memref_slice %arg4[%dma_start3A_61, %dma_start3A_62] : memref<20000x128xf32, #tpu.memory_space<hbm>> -> memref<20000x128xf32, #tpu.memory_space<hbm>>
        tpu.enqueue_indirect_dma source(%dma_start3A_63 : memref<20000x128xf32, #tpu.memory_space<hbm>>) target(%arg10 : memref<128x128xf32, #tpu.memory_space<vmem>>) offsets(%dma_start3A_60 : memref<128xi32, #tpu.memory_space<vmem>>) semaphore(%run_scoped3A_58 : memref<!tpu.dma_semaphore, #tpu.memory_space<semaphore_mem>>)
        %dma_wait3A = arith.constant 0 : i32
        %dma_wait3A_64 = tpu.memref_slice %arg8[%run_scoped3A, %dma_wait3A] : memref<8x128xi32, #tpu.memory_space<vmem>> -> memref<1x128xi32, #tpu.memory_space<vmem>>
        %dma_wait3A_65 = tpu.memref_squeeze %dma_wait3A_64 : memref<1x128xi32, #tpu.memory_space<vmem>> -> memref<128xi32, #tpu.memory_space<vmem>>
        %dma_wait3A_66 = arith.constant 0 : i32
        %dma_wait3A_67 = arith.constant 0 : i32
        %dma_wait3A_68 = tpu.memref_slice %arg4[%dma_wait3A_66, %dma_wait3A_67] : memref<20000x128xf32, #tpu.memory_space<hbm>> -> memref<20000x128xf32, #tpu.memory_space<hbm>>
        tpu.wait_indirect_dma semaphore(%run_scoped3A_58 : memref<!tpu.dma_semaphore, #tpu.memory_space<semaphore_mem>>) src(%dma_wait3A_68 : memref<20000x128xf32, #tpu.memory_space<hbm>>) dst(%arg10 : memref<128x128xf32, #tpu.memory_space<vmem>>)
        tpu.yield
      }) : () -> ()
      %run_scoped3A_55 = arith.constant 0 : i32
      "tpu.region"() ({
        %run_scoped3A_58 = tpu.sem_alloc : memref<!tpu.dma_semaphore, #tpu.memory_space<semaphore_mem>>
        %dma_start3A = arith.constant 0 : i32
        %dma_start3A_59 = tpu.memref_slice %arg9[%run_scoped3A_55, %dma_start3A] : memref<8x128xi32, #tpu.memory_space<vmem>> -> memref<1x128xi32, #tpu.memory_space<vmem>>
        %dma_start3A_60 = tpu.memref_squeeze %dma_start3A_59 : memref<1x128xi32, #tpu.memory_space<vmem>> -> memref<128xi32, #tpu.memory_space<vmem>>
        %dma_start3A_61 = arith.constant 0 : i32
        %dma_start3A_62 = arith.constant 0 : i32
        %dma_start3A_63 = tpu.memref_slice %arg7[%dma_start3A_61, %dma_start3A_62] : memref<10000x128xf32, #tpu.memory_space<vmem_shared>> -> memref<10000x128xf32, #tpu.memory_space<vmem_shared>>
        tpu.enqueue_indirect_dma source(%arg10 : memref<128x128xf32, #tpu.memory_space<vmem>>) target(%dma_start3A_63 : memref<10000x128xf32, #tpu.memory_space<vmem_shared>>) offsets(%dma_start3A_60 : memref<128xi32, #tpu.memory_space<vmem>>) semaphore(%run_scoped3A_58 : memref<!tpu.dma_semaphore, #tpu.memory_space<semaphore_mem>>) {add = true}
        %dma_wait3A = arith.constant 0 : i32
        %dma_wait3A_64 = tpu.memref_slice %arg9[%run_scoped3A_55, %dma_wait3A] : memref<8x128xi32, #tpu.memory_space<vmem>> -> memref<1x128xi32, #tpu.memory_space<vmem>>
        %dma_wait3A_65 = tpu.memref_squeeze %dma_wait3A_64 : memref<1x128xi32, #tpu.memory_space<vmem>> -> memref<128xi32, #tpu.memory_space<vmem>>
        %dma_wait3A_66 = arith.constant 0 : i32
        %dma_wait3A_67 = arith.constant 0 : i32
        %dma_wait3A_68 = tpu.memref_slice %arg7[%dma_wait3A_66, %dma_wait3A_67] : memref<10000x128xf32, #tpu.memory_space<vmem_shared>> -> memref<10000x128xf32, #tpu.memory_space<vmem_shared>>
        tpu.wait_indirect_dma semaphore(%run_scoped3A_58 : memref<!tpu.dma_semaphore, #tpu.memory_space<semaphore_mem>>) src(%arg10 : memref<128x128xf32, #tpu.memory_space<vmem>>) dst(%dma_wait3A_68 : memref<10000x128xf32, #tpu.memory_space<vmem_shared>>)
        tpu.yield
      }) : () -> ()
      %run_scoped3A_56 = arith.constant 1 : i32
      "tpu.region"() ({
        %run_scoped3A_58 = tpu.sem_alloc : memref<!tpu.dma_semaphore, #tpu.memory_space<semaphore_mem>>
        %dma_start3A = arith.constant 0 : i32
        %dma_start3A_59 = tpu.memref_slice %arg8[%run_scoped3A_56, %dma_start3A] : memref<8x128xi32, #tpu.memory_space<vmem>> -> memref<1x128xi32, #tpu.memory_space<vmem>>
        %dma_start3A_60 = tpu.memref_squeeze %dma_start3A_59 : memref<1x128xi32, #tpu.memory_space<vmem>> -> memref<128xi32, #tpu.memory_space<vmem>>
        %dma_start3A_61 = arith.constant 0 : i32
        %dma_start3A_62 = arith.constant 0 : i32
        %dma_start3A_63 = tpu.memref_slice %arg4[%dma_start3A_61, %dma_start3A_62] : memref<20000x128xf32, #tpu.memory_space<hbm>> -> memref<20000x128xf32, #tpu.memory_space<hbm>>
        tpu.enqueue_indirect_dma source(%dma_start3A_63 : memref<20000x128xf32, #tpu.memory_space<hbm>>) target(%arg10 : memref<128x128xf32, #tpu.memory_space<vmem>>) offsets(%dma_start3A_60 : memref<128xi32, #tpu.memory_space<vmem>>) semaphore(%run_scoped3A_58 : memref<!tpu.dma_semaphore, #tpu.memory_space<semaphore_mem>>)
        %dma_wait3A = arith.constant 0 : i32
        %dma_wait3A_64 = tpu.memref_slice %arg8[%run_scoped3A_56, %dma_wait3A] : memref<8x128xi32, #tpu.memory_space<vmem>> -> memref<1x128xi32, #tpu.memory_space<vmem>>
        %dma_wait3A_65 = tpu.memref_squeeze %dma_wait3A_64 : memref<1x128xi32, #tpu.memory_space<vmem>> -> memref<128xi32, #tpu.memory_space<vmem>>
        %dma_wait3A_66 = arith.constant 0 : i32
        %dma_wait3A_67 = arith.constant 0 : i32
        %dma_wait3A_68 = tpu.memref_slice %arg4[%dma_wait3A_66, %dma_wait3A_67] : memref<20000x128xf32, #tpu.memory_space<hbm>> -> memref<20000x128xf32, #tpu.memory_space<hbm>>
        tpu.wait_indirect_dma semaphore(%run_scoped3A_58 : memref<!tpu.dma_semaphore, #tpu.memory_space<semaphore_mem>>) src(%dma_wait3A_68 : memref<20000x128xf32, #tpu.memory_space<hbm>>) dst(%arg10 : memref<128x128xf32, #tpu.memory_space<vmem>>)
        tpu.yield
      }) : () -> ()
      %run_scoped3A_57 = arith.constant 1 : i32
      "tpu.region"() ({
        %run_scoped3A_58 = tpu.sem_alloc : memref<!tpu.dma_semaphore, #tpu.memory_space<semaphore_mem>>
        %dma_start3A = arith.constant 0 : i32
        %dma_start3A_59 = tpu.memref_slice %arg9[%run_scoped3A_57, %dma_start3A] : memref<8x128xi32, #tpu.memory_space<vmem>> -> memref<1x128xi32, #tpu.memory_space<vmem>>
        %dma_start3A_60 = tpu.memref_squeeze %dma_start3A_59 : memref<1x128xi32, #tpu.memory_space<vmem>> -> memref<128xi32, #tpu.memory_space<vmem>>
        %dma_start3A_61 = arith.constant 0 : i32
        %dma_start3A_62 = arith.constant 0 : i32
        %dma_start3A_63 = tpu.memref_slice %arg7[%dma_start3A_61, %dma_start3A_62] : memref<10000x128xf32, #tpu.memory_space<vmem_shared>> -> memref<10000x128xf32, #tpu.memory_space<vmem_shared>>
        tpu.enqueue_indirect_dma source(%arg10 : memref<128x128xf32, #tpu.memory_space<vmem>>) target(%dma_start3A_63 : memref<10000x128xf32, #tpu.memory_space<vmem_shared>>) offsets(%dma_start3A_60 : memref<128xi32, #tpu.memory_space<vmem>>) semaphore(%run_scoped3A_58 : memref<!tpu.dma_semaphore, #tpu.memory_space<semaphore_mem>>) {add = true}
        %dma_wait3A = arith.constant 0 : i32
        %dma_wait3A_64 = tpu.memref_slice %arg9[%run_scoped3A_57, %dma_wait3A] : memref<8x128xi32, #tpu.memory_space<vmem>> -> memref<1x128xi32, #tpu.memory_space<vmem>>
        %dma_wait3A_65 = tpu.memref_squeeze %dma_wait3A_64 : memref<1x128xi32, #tpu.memory_space<vmem>> -> memref<128xi32, #tpu.memory_space<vmem>>
        %dma_wait3A_66 = arith.constant 0 : i32
        %dma_wait3A_67 = arith.constant 0 : i32
        %dma_wait3A_68 = tpu.memref_slice %arg7[%dma_wait3A_66, %dma_wait3A_67] : memref<10000x128xf32, #tpu.memory_space<vmem_shared>> -> memref<10000x128xf32, #tpu.memory_space<vmem_shared>>
        tpu.wait_indirect_dma semaphore(%run_scoped3A_58 : memref<!tpu.dma_semaphore, #tpu.memory_space<semaphore_mem>>) src(%arg10 : memref<128x128xf32, #tpu.memory_space<vmem>>) dst(%dma_wait3A_68 : memref<10000x128xf32, #tpu.memory_space<vmem_shared>>)
        tpu.yield
      }) : () -> ()
    } else {
    }
    %barrier3A_16 = arith.constant 0 : index
    tpu.barrier barrier_id(%barrier3A_16)
    %scan3A_17 = arith.constant 0 : i32
    %scan3A_18 = arith.constant 4 : i32
    %scan3A_19 = arith.addi %scan3A_17, %scan3A_18 : i32
    %scan3A_20 = arith.constant 1 : i32
    scf.for %scan3A_55 = %scan3A_17 to %scan3A_19 step %scan3A_20  : i32 {
      %mul3A = arith.constant 1 : i32
      %mul3A_56 = arith.muli %scan3A_55, %mul3A : i32
      %add3A = arith.constant 0 : i32
      %add3A_57 = arith.addi %add3A, %mul3A_56 : i32
      %mul3A_58 = arith.constant 16 : i32
      %mul3A_59 = arith.muli %add3A_57, %mul3A_58 : i32
      %add3A_60 = arith.addi %mul3A_59, %arg1 : i32
      %lt3A = arith.constant 50 : i32
      %lt3A_61 = arith.cmpi slt, %add3A_60, %lt3A : i32
      %convert_element_type3A_62 = arith.extui %lt3A_61 : i1 to i32
      %cond3A_63 = arith.constant 0 : i32
      %cond3A_64 = arith.cmpi ne, %convert_element_type3A_62, %cond3A_63 : i32
      scf.if %cond3A_64 {
        %mul3A_65 = arith.constant 200 : i32
        %mul3A_66 = arith.muli %add3A_60, %mul3A_65 : i32
        "tpu.region"() ({
          %run_scoped3A = tpu.sem_alloc : memref<!tpu.dma_semaphore, #tpu.memory_space<semaphore_mem>>
          %dma_start3A = arith.constant 0 : i32
          %dma_start3A_67 = tpu.memref_slice %arg5[%arg0, %mul3A_66, %dma_start3A] : memref<2x10000x128xf32, #tpu.memory_space<hbm>> -> memref<1x200x128xf32, #tpu.memory_space<hbm>>
          %dma_start3A_68 = tpu.memref_squeeze %dma_start3A_67 : memref<1x200x128xf32, #tpu.memory_space<hbm>> -> memref<200x128xf32, #tpu.memory_space<hbm>>
          %dma_start3A_69 = arith.constant 0 : i32
          %dma_start3A_70 = tpu.memref_slice %arg7[%mul3A_66, %dma_start3A_69] : memref<10000x128xf32, #tpu.memory_space<vmem_shared>> -> memref<200x128xf32, #tpu.memory_space<vmem_shared>>
          tpu.enqueue_dma source(%dma_start3A_70 : memref<200x128xf32, #tpu.memory_space<vmem_shared>>) target(%dma_start3A_68 : memref<200x128xf32, #tpu.memory_space<hbm>>) target_semaphore(%run_scoped3A : memref<!tpu.dma_semaphore, #tpu.memory_space<semaphore_mem>>)
          %dma_wait3A = arith.constant 0 : i32
          %dma_wait3A_71 = tpu.memref_slice %arg5[%arg0, %mul3A_66, %dma_wait3A] : memref<2x10000x128xf32, #tpu.memory_space<hbm>> -> memref<1x200x128xf32, #tpu.memory_space<hbm>>
          %dma_wait3A_72 = tpu.memref_squeeze %dma_wait3A_71 : memref<1x200x128xf32, #tpu.memory_space<hbm>> -> memref<200x128xf32, #tpu.memory_space<hbm>>
          %dma_wait3A_73 = arith.constant 0 : i32
          %dma_wait3A_74 = tpu.memref_slice %arg7[%mul3A_66, %dma_wait3A_73] : memref<10000x128xf32, #tpu.memory_space<vmem_shared>> -> memref<200x128xf32, #tpu.memory_space<vmem_shared>>
          tpu.wait_dma2 semaphore(%run_scoped3A : memref<!tpu.dma_semaphore, #tpu.memory_space<semaphore_mem>>) src(%dma_wait3A_74 : memref<200x128xf32, #tpu.memory_space<vmem_shared>>) dst(%dma_wait3A_72 : memref<200x128xf32, #tpu.memory_space<hbm>>)
          tpu.yield
        }) : () -> ()
      } else {
      }
    }
    %scan3A_21 = arith.constant 4 : i32
    %barrier3A_22 = arith.constant 0 : index
    tpu.barrier barrier_id(%barrier3A_22)
    %scan3A_23 = arith.constant 0 : i32
    %scan3A_24 = arith.constant 80 : i32
    %scan3A_25 = arith.addi %scan3A_23, %scan3A_24 : i32
    %scan3A_26 = arith.constant 1 : i32
    scf.for %scan3A_55 = %scan3A_23 to %scan3A_25 step %scan3A_26  : i32 {
      %mul3A = arith.constant 1 : i32
      %mul3A_56 = arith.muli %scan3A_55, %mul3A : i32
      %add3A = arith.constant 0 : i32
      %add3A_57 = arith.addi %add3A, %mul3A_56 : i32
      %scan3A_58 = arith.constant 0 : i32
      %scan3A_59 = arith.constant 8 : i32
      %scan3A_60 = arith.addi %scan3A_58, %scan3A_59 : i32
      %scan3A_61 = arith.constant 1 : i32
      scf.for %scan3A_63 = %scan3A_58 to %scan3A_60 step %scan3A_61  : i32 {
        %mul3A_64 = arith.constant 1 : i32
        %mul3A_65 = arith.muli %scan3A_63, %mul3A_64 : i32
        %add3A_66 = arith.constant 0 : i32
        %add3A_67 = arith.addi %add3A_66, %mul3A_65 : i32
        %broadcast_in_dim3A = arith.constant 0.000000e+00 : f32
        %broadcast_in_dim3A_68 = vector.broadcast %broadcast_in_dim3A : f32 to vector<16xf32>
        %mul3A_69 = arith.constant 16 : i32
        %mul3A_70 = arith.muli %add3A_67, %mul3A_69 : i32
        %swap3A = arith.index_cast %add3A_57 : i32 to index
        %swap3A_71 = arith.index_cast %mul3A_70 : i32 to index
        %swap3A_72 = tpu.vector_load %arg10[%swap3A, %swap3A_71] {strides = array<i32>} : memref<128x128xf32, #tpu.memory_space<vmem>>, vector<1x16xf32>,
        %swap3A_73 = vector.shape_cast %swap3A_72 : vector<1x16xf32> to vector<16xf32>
        %swap3A_74 = vector.shape_cast %broadcast_in_dim3A_68 : vector<16xf32> to vector<1x16xf32>
        tpu.vector_store %arg10[%swap3A, %swap3A_71], %swap3A_74 {strides = array<i32>} : memref<128x128xf32, #tpu.memory_space<vmem>>, vector<1x16xf32>,
      }
      %scan3A_62 = arith.constant 8 : i32
    }
    %scan3A_27 = arith.constant 80 : i32
    %scan3A_28 = arith.constant 0 : i32
    %scan3A_29 = arith.constant 8 : i32
    %scan3A_30 = arith.addi %scan3A_28, %scan3A_29 : i32
    %scan3A_31 = arith.constant 1 : i32
    scf.for %scan3A_55 = %scan3A_28 to %scan3A_30 step %scan3A_31  : i32 {
      %mul3A = arith.constant 1 : i32
      %mul3A_56 = arith.muli %scan3A_55, %mul3A : i32
      %add3A = arith.constant 0 : i32
      %add3A_57 = arith.addi %add3A, %mul3A_56 : i32
      %mul3A_58 = arith.constant 16 : i32
      %mul3A_59 = arith.muli %add3A_57, %mul3A_58 : i32
      %add3A_60 = arith.addi %mul3A_59, %arg1 : i32
      %lt3A = arith.constant 125 : i32
      %lt3A_61 = arith.cmpi slt, %add3A_60, %lt3A : i32
      %convert_element_type3A_62 = arith.extui %lt3A_61 : i1 to i32
      %cond3A_63 = arith.constant 0 : i32
      %cond3A_64 = arith.cmpi ne, %convert_element_type3A_62, %cond3A_63 : i32
      scf.if %cond3A_64 {
        %mul3A_65 = arith.constant 80 : i32
        %mul3A_66 = arith.muli %add3A_60, %mul3A_65 : i32
        "tpu.region"() ({
          %run_scoped3A = tpu.sem_alloc : memref<!tpu.dma_semaphore, #tpu.memory_space<semaphore_mem>>
          %dma_start3A = arith.constant 0 : i32
          %dma_start3A_67 = arith.constant 0 : i32
          %dma_start3A_68 = tpu.memref_slice %arg10[%dma_start3A, %dma_start3A_67] : memref<128x128xf32, #tpu.memory_space<vmem>> -> memref<80x128xf32, #tpu.memory_space<vmem>>
          %dma_start3A_69 = arith.constant 0 : i32
          %dma_start3A_70 = tpu.memref_slice %arg7[%mul3A_66, %dma_start3A_69] : memref<10000x128xf32, #tpu.memory_space<vmem_shared>> -> memref<80x128xf32, #tpu.memory_space<vmem_shared>>
          %dma_start3A_71 = arith.constant 0 : i32
          %dma_start3A_72 = tpu.memref_slice %arg7[%mul3A_66, %dma_start3A_71] : memref<10000x128xf32, #tpu.memory_space<vmem_shared>> -> memref<80x128xf32, #tpu.memory_space<vmem_shared>>
          %dma_start3A_73 = arith.constant 0 : i32
          %dma_start3A_74 = arith.constant 0 : i32
          %dma_start3A_75 = tpu.memref_slice %arg10[%dma_start3A_73, %dma_start3A_74] : memref<128x128xf32, #tpu.memory_space<vmem>> -> memref<80x128xf32, #tpu.memory_space<vmem>>
          tpu.enqueue_dma source(%dma_start3A_75 : memref<80x128xf32, #tpu.memory_space<vmem>>) target(%dma_start3A_72 : memref<80x128xf32, #tpu.memory_space<vmem_shared>>) target_semaphore(%run_scoped3A : memref<!tpu.dma_semaphore, #tpu.memory_space<semaphore_mem>>)
          %dma_wait3A = arith.constant 0 : i32
          %dma_wait3A_76 = arith.constant 0 : i32
          %dma_wait3A_77 = tpu.memref_slice %arg10[%dma_wait3A, %dma_wait3A_76] : memref<128x128xf32, #tpu.memory_space<vmem>> -> memref<80x128xf32, #tpu.memory_space<vmem>>
          %dma_wait3A_78 = arith.constant 0 : i32
          %dma_wait3A_79 = tpu.memref_slice %arg7[%mul3A_66, %dma_wait3A_78] : memref<10000x128xf32, #tpu.memory_space<vmem_shared>> -> memref<80x128xf32, #tpu.memory_space<vmem_shared>>
          %dma_wait3A_80 = arith.constant 0 : i32
          %dma_wait3A_81 = tpu.memref_slice %arg7[%mul3A_66, %dma_wait3A_80] : memref<10000x128xf32, #tpu.memory_space<vmem_shared>> -> memref<80x128xf32, #tpu.memory_space<vmem_shared>>
          %dma_wait3A_82 = arith.constant 0 : i32
          %dma_wait3A_83 = arith.constant 0 : i32
          %dma_wait3A_84 = tpu.memref_slice %arg10[%dma_wait3A_82, %dma_wait3A_83] : memref<128x128xf32, #tpu.memory_space<vmem>> -> memref<80x128xf32, #tpu.memory_space<vmem>>
          tpu.wait_dma2 semaphore(%run_scoped3A : memref<!tpu.dma_semaphore, #tpu.memory_space<semaphore_mem>>) src(%dma_wait3A_84 : memref<80x128xf32, #tpu.memory_space<vmem>>) dst(%dma_wait3A_81 : memref<80x128xf32, #tpu.memory_space<vmem_shared>>)
          tpu.yield
        }) : () -> ()
      } else {
      }
    }
    %scan3A_32 = arith.constant 8 : i32
    %barrier3A_33 = arith.constant 0 : index
    tpu.barrier barrier_id(%barrier3A_33)
    %scan3A_34 = arith.constant 0 : i32
    %scan3A_35 = arith.constant 128 : i32
    %scan3A_36 = arith.addi %scan3A_34, %scan3A_35 : i32
    %scan3A_37 = arith.constant 1 : i32
    scf.for %scan3A_55 = %scan3A_34 to %scan3A_36 step %scan3A_37  : i32 {
      %mul3A = arith.constant 1 : i32
      %mul3A_56 = arith.muli %scan3A_55, %mul3A : i32
      %add3A = arith.constant 0 : i32
      %add3A_57 = arith.addi %add3A, %mul3A_56 : i32
      %scan3A_58 = arith.constant 0 : i32
      %scan3A_59 = arith.constant 8 : i32
      %scan3A_60 = arith.addi %scan3A_58, %scan3A_59 : i32
      %scan3A_61 = arith.constant 1 : i32
      scf.for %scan3A_63 = %scan3A_58 to %scan3A_60 step %scan3A_61  : i32 {
        %mul3A_64 = arith.constant 1 : i32
        %mul3A_65 = arith.muli %scan3A_63, %mul3A_64 : i32
        %add3A_66 = arith.constant 0 : i32
        %add3A_67 = arith.addi %add3A_66, %mul3A_65 : i32
        %broadcast_in_dim3A = arith.constant 1.000000e+00 : f32
        %broadcast_in_dim3A_68 = vector.broadcast %broadcast_in_dim3A : f32 to vector<16xf32>
        %mul3A_69 = arith.constant 16 : i32
        %mul3A_70 = arith.muli %add3A_67, %mul3A_69 : i32
        %swap3A = arith.index_cast %add3A_57 : i32 to index
        %swap3A_71 = arith.index_cast %mul3A_70 : i32 to index
        %swap3A_72 = tpu.vector_load %arg10[%swap3A, %swap3A_71] {strides = array<i32>} : memref<128x128xf32, #tpu.memory_space<vmem>>, vector<1x16xf32>,
        %swap3A_73 = vector.shape_cast %swap3A_72 : vector<1x16xf32> to vector<16xf32>
        %swap3A_74 = vector.shape_cast %broadcast_in_dim3A_68 : vector<16xf32> to vector<1x16xf32>
        tpu.vector_store %arg10[%swap3A, %swap3A_71], %swap3A_74 {strides = array<i32>} : memref<128x128xf32, #tpu.memory_space<vmem>>, vector<1x16xf32>,
      }
      %scan3A_62 = arith.constant 8 : i32
    }
    %scan3A_38 = arith.constant 128 : i32
    %scan3A_39 = arith.constant 0 : i32
    %scan3A_40 = arith.constant 10 : i32
    %scan3A_41 = arith.addi %scan3A_39, %scan3A_40 : i32
    %scan3A_42 = arith.constant 1 : i32
    scf.for %scan3A_55 = %scan3A_39 to %scan3A_41 step %scan3A_42  : i32 {
      %mul3A = arith.constant 1 : i32
      %mul3A_56 = arith.muli %scan3A_55, %mul3A : i32
      %add3A = arith.constant 0 : i32
      %add3A_57 = arith.addi %add3A, %mul3A_56 : i32
      %mul3A_58 = arith.constant 16 : i32
      %mul3A_59 = arith.muli %add3A_57, %mul3A_58 : i32
      %add3A_60 = arith.addi %mul3A_59, %arg1 : i32
      %lt3A = arith.constant 156 : i32
      %lt3A_61 = arith.cmpi slt, %add3A_60, %lt3A : i32
      %convert_element_type3A_62 = arith.extui %lt3A_61 : i1 to i32
      %cond3A_63 = arith.constant 0 : i32
      %cond3A_64 = arith.cmpi ne, %convert_element_type3A_62, %cond3A_63 : i32
      scf.if %cond3A_64 {
        %mul3A_65 = arith.constant 8 : i32
        %mul3A_66 = arith.muli %add3A_60, %mul3A_65 : i32
        "tpu.region"() ({
          %run_scoped3A = tpu.sem_alloc : memref<!tpu.dma_semaphore, #tpu.memory_space<semaphore_mem>>
          %dma_start3A_177 = arith.constant 0 : i32
          %dma_start3A_178 = tpu.memref_slice %arg3[%arg0, %mul3A_66, %dma_start3A_177] : memref<2x1250x128xi32, #tpu.memory_space<hbm>> -> memref<1x8x128xi32, #tpu.memory_space<hbm>>
          %dma_start3A_179 = tpu.memref_squeeze %dma_start3A_178 : memref<1x8x128xi32, #tpu.memory_space<hbm>> -> memref<8x128xi32, #tpu.memory_space<hbm>>
          %dma_start3A_180 = arith.constant 0 : i32
          %dma_start3A_181 = tpu.memref_slice %arg3[%arg0, %mul3A_66, %dma_start3A_180] : memref<2x1250x128xi32, #tpu.memory_space<hbm>> -> memref<1x8x128xi32, #tpu.memory_space<hbm>>
          %dma_start3A_182 = tpu.memref_squeeze %dma_start3A_181 : memref<1x8x128xi32, #tpu.memory_space<hbm>> -> memref<8x128xi32, #tpu.memory_space<hbm>>
          tpu.enqueue_dma source(%dma_start3A_182 : memref<8x128xi32, #tpu.memory_space<hbm>>) target(%arg9 : memref<8x128xi32, #tpu.memory_space<vmem>>) target_semaphore(%run_scoped3A : memref<!tpu.dma_semaphore, #tpu.memory_space<semaphore_mem>>)
          %dma_wait3A_183 = arith.constant 0 : i32
          %dma_wait3A_184 = tpu.memref_slice %arg3[%arg0, %mul3A_66, %dma_wait3A_183] : memref<2x1250x128xi32, #tpu.memory_space<hbm>> -> memref<1x8x128xi32, #tpu.memory_space<hbm>>
          %dma_wait3A_185 = tpu.memref_squeeze %dma_wait3A_184 : memref<1x8x128xi32, #tpu.memory_space<hbm>> -> memref<8x128xi32, #tpu.memory_space<hbm>>
          %dma_wait3A_186 = arith.constant 0 : i32
          %dma_wait3A_187 = tpu.memref_slice %arg3[%arg0, %mul3A_66, %dma_wait3A_186] : memref<2x1250x128xi32, #tpu.memory_space<hbm>> -> memref<1x8x128xi32, #tpu.memory_space<hbm>>
          %dma_wait3A_188 = tpu.memref_squeeze %dma_wait3A_187 : memref<1x8x128xi32, #tpu.memory_space<hbm>> -> memref<8x128xi32, #tpu.memory_space<hbm>>
          tpu.wait_dma2 semaphore(%run_scoped3A : memref<!tpu.dma_semaphore, #tpu.memory_space<semaphore_mem>>) src(%dma_wait3A_188 : memref<8x128xi32, #tpu.memory_space<hbm>>) dst(%arg9 : memref<8x128xi32, #tpu.memory_space<vmem>>)
          tpu.yield
        }) : () -> ()
        %dma_start3A = arith.constant 0 : i32
        %dma_start3A_67 = arith.constant 0 : i32
        %dma_start3A_68 = tpu.memref_slice %arg9[%dma_start3A, %dma_start3A_67] : memref<8x128xi32, #tpu.memory_space<vmem>> -> memref<1x128xi32, #tpu.memory_space<vmem>>
        %dma_start3A_69 = tpu.memref_squeeze %dma_start3A_68 : memref<1x128xi32, #tpu.memory_space<vmem>> -> memref<128xi32, #tpu.memory_space<vmem>>
        %dma_start3A_70 = arith.constant 0 : i32
        %dma_start3A_71 = arith.constant 0 : i32
        %dma_start3A_72 = tpu.memref_slice %arg7[%dma_start3A_70, %dma_start3A_71] : memref<10000x128xf32, #tpu.memory_space<vmem_shared>> -> memref<10000x128xf32, #tpu.memory_space<vmem_shared>>
        tpu.enqueue_indirect_dma source(%arg10 : memref<128x128xf32, #tpu.memory_space<vmem>>) target(%dma_start3A_72 : memref<10000x128xf32, #tpu.memory_space<vmem_shared>>) offsets(%dma_start3A_69 : memref<128xi32, #tpu.memory_space<vmem>>) semaphore(%arg14 : memref<!tpu.dma_semaphore, #tpu.memory_space<semaphore_mem>>) {add = true}
        %dma_start3A_73 = arith.constant 1 : i32
        %dma_start3A_74 = arith.constant 0 : i32
        %dma_start3A_75 = tpu.memref_slice %arg9[%dma_start3A_73, %dma_start3A_74] : memref<8x128xi32, #tpu.memory_space<vmem>> -> memref<1x128xi32, #tpu.memory_space<vmem>>
        %dma_start3A_76 = tpu.memref_squeeze %dma_start3A_75 : memref<1x128xi32, #tpu.memory_space<vmem>> -> memref<128xi32, #tpu.memory_space<vmem>>
        %dma_start3A_77 = arith.constant 0 : i32
        %dma_start3A_78 = arith.constant 0 : i32
        %dma_start3A_79 = tpu.memref_slice %arg7[%dma_start3A_77, %dma_start3A_78] : memref<10000x128xf32, #tpu.memory_space<vmem_shared>> -> memref<10000x128xf32, #tpu.memory_space<vmem_shared>>
        tpu.enqueue_indirect_dma source(%arg10 : memref<128x128xf32, #tpu.memory_space<vmem>>) target(%dma_start3A_79 : memref<10000x128xf32, #tpu.memory_space<vmem_shared>>) offsets(%dma_start3A_76 : memref<128xi32, #tpu.memory_space<vmem>>) semaphore(%arg14 : memref<!tpu.dma_semaphore, #tpu.memory_space<semaphore_mem>>) {add = true}
        %dma_start3A_80 = arith.constant 2 : i32
        %dma_start3A_81 = arith.constant 0 : i32
        %dma_start3A_82 = tpu.memref_slice %arg9[%dma_start3A_80, %dma_start3A_81] : memref<8x128xi32, #tpu.memory_space<vmem>> -> memref<1x128xi32, #tpu.memory_space<vmem>>
        %dma_start3A_83 = tpu.memref_squeeze %dma_start3A_82 : memref<1x128xi32, #tpu.memory_space<vmem>> -> memref<128xi32, #tpu.memory_space<vmem>>
        %dma_start3A_84 = arith.constant 0 : i32
        %dma_start3A_85 = arith.constant 0 : i32
        %dma_start3A_86 = tpu.memref_slice %arg7[%dma_start3A_84, %dma_start3A_85] : memref<10000x128xf32, #tpu.memory_space<vmem_shared>> -> memref<10000x128xf32, #tpu.memory_space<vmem_shared>>
        tpu.enqueue_indirect_dma source(%arg10 : memref<128x128xf32, #tpu.memory_space<vmem>>) target(%dma_start3A_86 : memref<10000x128xf32, #tpu.memory_space<vmem_shared>>) offsets(%dma_start3A_83 : memref<128xi32, #tpu.memory_space<vmem>>) semaphore(%arg14 : memref<!tpu.dma_semaphore, #tpu.memory_space<semaphore_mem>>) {add = true}
        %dma_start3A_87 = arith.constant 3 : i32
        %dma_start3A_88 = arith.constant 0 : i32
        %dma_start3A_89 = tpu.memref_slice %arg9[%dma_start3A_87, %dma_start3A_88] : memref<8x128xi32, #tpu.memory_space<vmem>> -> memref<1x128xi32, #tpu.memory_space<vmem>>
        %dma_start3A_90 = tpu.memref_squeeze %dma_start3A_89 : memref<1x128xi32, #tpu.memory_space<vmem>> -> memref<128xi32, #tpu.memory_space<vmem>>
        %dma_start3A_91 = arith.constant 0 : i32
        %dma_start3A_92 = arith.constant 0 : i32
        %dma_start3A_93 = tpu.memref_slice %arg7[%dma_start3A_91, %dma_start3A_92] : memref<10000x128xf32, #tpu.memory_space<vmem_shared>> -> memref<10000x128xf32, #tpu.memory_space<vmem_shared>>
        tpu.enqueue_indirect_dma source(%arg10 : memref<128x128xf32, #tpu.memory_space<vmem>>) target(%dma_start3A_93 : memref<10000x128xf32, #tpu.memory_space<vmem_shared>>) offsets(%dma_start3A_90 : memref<128xi32, #tpu.memory_space<vmem>>) semaphore(%arg14 : memref<!tpu.dma_semaphore, #tpu.memory_space<semaphore_mem>>) {add = true}
        %dma_start3A_94 = arith.constant 4 : i32
        %dma_start3A_95 = arith.constant 0 : i32
        %dma_start3A_96 = tpu.memref_slice %arg9[%dma_start3A_94, %dma_start3A_95] : memref<8x128xi32, #tpu.memory_space<vmem>> -> memref<1x128xi32, #tpu.memory_space<vmem>>
        %dma_start3A_97 = tpu.memref_squeeze %dma_start3A_96 : memref<1x128xi32, #tpu.memory_space<vmem>> -> memref<128xi32, #tpu.memory_space<vmem>>
        %dma_start3A_98 = arith.constant 0 : i32
        %dma_start3A_99 = arith.constant 0 : i32
        %dma_start3A_100 = tpu.memref_slice %arg7[%dma_start3A_98, %dma_start3A_99] : memref<10000x128xf32, #tpu.memory_space<vmem_shared>> -> memref<10000x128xf32, #tpu.memory_space<vmem_shared>>
        tpu.enqueue_indirect_dma source(%arg10 : memref<128x128xf32, #tpu.memory_space<vmem>>) target(%dma_start3A_100 : memref<10000x128xf32, #tpu.memory_space<vmem_shared>>) offsets(%dma_start3A_97 : memref<128xi32, #tpu.memory_space<vmem>>) semaphore(%arg14 : memref<!tpu.dma_semaphore, #tpu.memory_space<semaphore_mem>>) {add = true}
        %dma_start3A_101 = arith.constant 5 : i32
        %dma_start3A_102 = arith.constant 0 : i32
        %dma_start3A_103 = tpu.memref_slice %arg9[%dma_start3A_101, %dma_start3A_102] : memref<8x128xi32, #tpu.memory_space<vmem>> -> memref<1x128xi32, #tpu.memory_space<vmem>>
        %dma_start3A_104 = tpu.memref_squeeze %dma_start3A_103 : memref<1x128xi32, #tpu.memory_space<vmem>> -> memref<128xi32, #tpu.memory_space<vmem>>
        %dma_start3A_105 = arith.constant 0 : i32
        %dma_start3A_106 = arith.constant 0 : i32
        %dma_start3A_107 = tpu.memref_slice %arg7[%dma_start3A_105, %dma_start3A_106] : memref<10000x128xf32, #tpu.memory_space<vmem_shared>> -> memref<10000x128xf32, #tpu.memory_space<vmem_shared>>
        tpu.enqueue_indirect_dma source(%arg10 : memref<128x128xf32, #tpu.memory_space<vmem>>) target(%dma_start3A_107 : memref<10000x128xf32, #tpu.memory_space<vmem_shared>>) offsets(%dma_start3A_104 : memref<128xi32, #tpu.memory_space<vmem>>) semaphore(%arg14 : memref<!tpu.dma_semaphore, #tpu.memory_space<semaphore_mem>>) {add = true}
        %dma_start3A_108 = arith.constant 6 : i32
        %dma_start3A_109 = arith.constant 0 : i32
        %dma_start3A_110 = tpu.memref_slice %arg9[%dma_start3A_108, %dma_start3A_109] : memref<8x128xi32, #tpu.memory_space<vmem>> -> memref<1x128xi32, #tpu.memory_space<vmem>>
        %dma_start3A_111 = tpu.memref_squeeze %dma_start3A_110 : memref<1x128xi32, #tpu.memory_space<vmem>> -> memref<128xi32, #tpu.memory_space<vmem>>
        %dma_start3A_112 = arith.constant 0 : i32
        %dma_start3A_113 = arith.constant 0 : i32
        %dma_start3A_114 = tpu.memref_slice %arg7[%dma_start3A_112, %dma_start3A_113] : memref<10000x128xf32, #tpu.memory_space<vmem_shared>> -> memref<10000x128xf32, #tpu.memory_space<vmem_shared>>
        tpu.enqueue_indirect_dma source(%arg10 : memref<128x128xf32, #tpu.memory_space<vmem>>) target(%dma_start3A_114 : memref<10000x128xf32, #tpu.memory_space<vmem_shared>>) offsets(%dma_start3A_111 : memref<128xi32, #tpu.memory_space<vmem>>) semaphore(%arg14 : memref<!tpu.dma_semaphore, #tpu.memory_space<semaphore_mem>>) {add = true}
        %dma_start3A_115 = arith.constant 7 : i32
        %dma_start3A_116 = arith.constant 0 : i32
        %dma_start3A_117 = tpu.memref_slice %arg9[%dma_start3A_115, %dma_start3A_116] : memref<8x128xi32, #tpu.memory_space<vmem>> -> memref<1x128xi32, #tpu.memory_space<vmem>>
        %dma_start3A_118 = tpu.memref_squeeze %dma_start3A_117 : memref<1x128xi32, #tpu.memory_space<vmem>> -> memref<128xi32, #tpu.memory_space<vmem>>
        %dma_start3A_119 = arith.constant 0 : i32
        %dma_start3A_120 = arith.constant 0 : i32
        %dma_start3A_121 = tpu.memref_slice %arg7[%dma_start3A_119, %dma_start3A_120] : memref<10000x128xf32, #tpu.memory_space<vmem_shared>> -> memref<10000x128xf32, #tpu.memory_space<vmem_shared>>
        tpu.enqueue_indirect_dma source(%arg10 : memref<128x128xf32, #tpu.memory_space<vmem>>) target(%dma_start3A_121 : memref<10000x128xf32, #tpu.memory_space<vmem_shared>>) offsets(%dma_start3A_118 : memref<128xi32, #tpu.memory_space<vmem>>) semaphore(%arg14 : memref<!tpu.dma_semaphore, #tpu.memory_space<semaphore_mem>>) {add = true}
        %dma_wait3A = arith.constant 0 : i32
        %dma_wait3A_122 = arith.constant 0 : i32
        %dma_wait3A_123 = tpu.memref_slice %arg9[%dma_wait3A, %dma_wait3A_122] : memref<8x128xi32, #tpu.memory_space<vmem>> -> memref<1x128xi32, #tpu.memory_space<vmem>>
        %dma_wait3A_124 = tpu.memref_squeeze %dma_wait3A_123 : memref<1x128xi32, #tpu.memory_space<vmem>> -> memref<128xi32, #tpu.memory_space<vmem>>
        %dma_wait3A_125 = arith.constant 0 : i32
        %dma_wait3A_126 = arith.constant 0 : i32
        %dma_wait3A_127 = tpu.memref_slice %arg7[%dma_wait3A_125, %dma_wait3A_126] : memref<10000x128xf32, #tpu.memory_space<vmem_shared>> -> memref<10000x128xf32, #tpu.memory_space<vmem_shared>>
        tpu.wait_indirect_dma semaphore(%arg14 : memref<!tpu.dma_semaphore, #tpu.memory_space<semaphore_mem>>) src(%arg10 : memref<128x128xf32, #tpu.memory_space<vmem>>) dst(%dma_wait3A_127 : memref<10000x128xf32, #tpu.memory_space<vmem_shared>>)
        %dma_wait3A_128 = arith.constant 1 : i32
        %dma_wait3A_129 = arith.constant 0 : i32
        %dma_wait3A_130 = tpu.memref_slice %arg9[%dma_wait3A_128, %dma_wait3A_129] : memref<8x128xi32, #tpu.memory_space<vmem>> -> memref<1x128xi32, #tpu.memory_space<vmem>>
        %dma_wait3A_131 = tpu.memref_squeeze %dma_wait3A_130 : memref<1x128xi32, #tpu.memory_space<vmem>> -> memref<128xi32, #tpu.memory_space<vmem>>
        %dma_wait3A_132 = arith.constant 0 : i32
        %dma_wait3A_133 = arith.constant 0 : i32
        %dma_wait3A_134 = tpu.memref_slice %arg7[%dma_wait3A_132, %dma_wait3A_133] : memref<10000x128xf32, #tpu.memory_space<vmem_shared>> -> memref<10000x128xf32, #tpu.memory_space<vmem_shared>>
        tpu.wait_indirect_dma semaphore(%arg14 : memref<!tpu.dma_semaphore, #tpu.memory_space<semaphore_mem>>) src(%arg10 : memref<128x128xf32, #tpu.memory_space<vmem>>) dst(%dma_wait3A_134 : memref<10000x128xf32, #tpu.memory_space<vmem_shared>>)
        %dma_wait3A_135 = arith.constant 2 : i32
        %dma_wait3A_136 = arith.constant 0 : i32
        %dma_wait3A_137 = tpu.memref_slice %arg9[%dma_wait3A_135, %dma_wait3A_136] : memref<8x128xi32, #tpu.memory_space<vmem>> -> memref<1x128xi32, #tpu.memory_space<vmem>>
        %dma_wait3A_138 = tpu.memref_squeeze %dma_wait3A_137 : memref<1x128xi32, #tpu.memory_space<vmem>> -> memref<128xi32, #tpu.memory_space<vmem>>
        %dma_wait3A_139 = arith.constant 0 : i32
        %dma_wait3A_140 = arith.constant 0 : i32
        %dma_wait3A_141 = tpu.memref_slice %arg7[%dma_wait3A_139, %dma_wait3A_140] : memref<10000x128xf32, #tpu.memory_space<vmem_shared>> -> memref<10000x128xf32, #tpu.memory_space<vmem_shared>>
        tpu.wait_indirect_dma semaphore(%arg14 : memref<!tpu.dma_semaphore, #tpu.memory_space<semaphore_mem>>) src(%arg10 : memref<128x128xf32, #tpu.memory_space<vmem>>) dst(%dma_wait3A_141 : memref<10000x128xf32, #tpu.memory_space<vmem_shared>>)
        %dma_wait3A_142 = arith.constant 3 : i32
        %dma_wait3A_143 = arith.constant 0 : i32
        %dma_wait3A_144 = tpu.memref_slice %arg9[%dma_wait3A_142, %dma_wait3A_143] : memref<8x128xi32, #tpu.memory_space<vmem>> -> memref<1x128xi32, #tpu.memory_space<vmem>>
        %dma_wait3A_145 = tpu.memref_squeeze %dma_wait3A_144 : memref<1x128xi32, #tpu.memory_space<vmem>> -> memref<128xi32, #tpu.memory_space<vmem>>
        %dma_wait3A_146 = arith.constant 0 : i32
        %dma_wait3A_147 = arith.constant 0 : i32
        %dma_wait3A_148 = tpu.memref_slice %arg7[%dma_wait3A_146, %dma_wait3A_147] : memref<10000x128xf32, #tpu.memory_space<vmem_shared>> -> memref<10000x128xf32, #tpu.memory_space<vmem_shared>>
        tpu.wait_indirect_dma semaphore(%arg14 : memref<!tpu.dma_semaphore, #tpu.memory_space<semaphore_mem>>) src(%arg10 : memref<128x128xf32, #tpu.memory_space<vmem>>) dst(%dma_wait3A_148 : memref<10000x128xf32, #tpu.memory_space<vmem_shared>>)
        %dma_wait3A_149 = arith.constant 4 : i32
        %dma_wait3A_150 = arith.constant 0 : i32
        %dma_wait3A_151 = tpu.memref_slice %arg9[%dma_wait3A_149, %dma_wait3A_150] : memref<8x128xi32, #tpu.memory_space<vmem>> -> memref<1x128xi32, #tpu.memory_space<vmem>>
        %dma_wait3A_152 = tpu.memref_squeeze %dma_wait3A_151 : memref<1x128xi32, #tpu.memory_space<vmem>> -> memref<128xi32, #tpu.memory_space<vmem>>
        %dma_wait3A_153 = arith.constant 0 : i32
        %dma_wait3A_154 = arith.constant 0 : i32
        %dma_wait3A_155 = tpu.memref_slice %arg7[%dma_wait3A_153, %dma_wait3A_154] : memref<10000x128xf32, #tpu.memory_space<vmem_shared>> -> memref<10000x128xf32, #tpu.memory_space<vmem_shared>>
        tpu.wait_indirect_dma semaphore(%arg14 : memref<!tpu.dma_semaphore, #tpu.memory_space<semaphore_mem>>) src(%arg10 : memref<128x128xf32, #tpu.memory_space<vmem>>) dst(%dma_wait3A_155 : memref<10000x128xf32, #tpu.memory_space<vmem_shared>>)
        %dma_wait3A_156 = arith.constant 5 : i32
        %dma_wait3A_157 = arith.constant 0 : i32
        %dma_wait3A_158 = tpu.memref_slice %arg9[%dma_wait3A_156, %dma_wait3A_157] : memref<8x128xi32, #tpu.memory_space<vmem>> -> memref<1x128xi32, #tpu.memory_space<vmem>>
        %dma_wait3A_159 = tpu.memref_squeeze %dma_wait3A_158 : memref<1x128xi32, #tpu.memory_space<vmem>> -> memref<128xi32, #tpu.memory_space<vmem>>
        %dma_wait3A_160 = arith.constant 0 : i32
        %dma_wait3A_161 = arith.constant 0 : i32
        %dma_wait3A_162 = tpu.memref_slice %arg7[%dma_wait3A_160, %dma_wait3A_161] : memref<10000x128xf32, #tpu.memory_space<vmem_shared>> -> memref<10000x128xf32, #tpu.memory_space<vmem_shared>>
        tpu.wait_indirect_dma semaphore(%arg14 : memref<!tpu.dma_semaphore, #tpu.memory_space<semaphore_mem>>) src(%arg10 : memref<128x128xf32, #tpu.memory_space<vmem>>) dst(%dma_wait3A_162 : memref<10000x128xf32, #tpu.memory_space<vmem_shared>>)
        %dma_wait3A_163 = arith.constant 6 : i32
        %dma_wait3A_164 = arith.constant 0 : i32
        %dma_wait3A_165 = tpu.memref_slice %arg9[%dma_wait3A_163, %dma_wait3A_164] : memref<8x128xi32, #tpu.memory_space<vmem>> -> memref<1x128xi32, #tpu.memory_space<vmem>>
        %dma_wait3A_166 = tpu.memref_squeeze %dma_wait3A_165 : memref<1x128xi32, #tpu.memory_space<vmem>> -> memref<128xi32, #tpu.memory_space<vmem>>
        %dma_wait3A_167 = arith.constant 0 : i32
        %dma_wait3A_168 = arith.constant 0 : i32
        %dma_wait3A_169 = tpu.memref_slice %arg7[%dma_wait3A_167, %dma_wait3A_168] : memref<10000x128xf32, #tpu.memory_space<vmem_shared>> -> memref<10000x128xf32, #tpu.memory_space<vmem_shared>>
        tpu.wait_indirect_dma semaphore(%arg14 : memref<!tpu.dma_semaphore, #tpu.memory_space<semaphore_mem>>) src(%arg10 : memref<128x128xf32, #tpu.memory_space<vmem>>) dst(%dma_wait3A_169 : memref<10000x128xf32, #tpu.memory_space<vmem_shared>>)
        %dma_wait3A_170 = arith.constant 7 : i32
        %dma_wait3A_171 = arith.constant 0 : i32
        %dma_wait3A_172 = tpu.memref_slice %arg9[%dma_wait3A_170, %dma_wait3A_171] : memref<8x128xi32, #tpu.memory_space<vmem>> -> memref<1x128xi32, #tpu.memory_space<vmem>>
        %dma_wait3A_173 = tpu.memref_squeeze %dma_wait3A_172 : memref<1x128xi32, #tpu.memory_space<vmem>> -> memref<128xi32, #tpu.memory_space<vmem>>
        %dma_wait3A_174 = arith.constant 0 : i32
        %dma_wait3A_175 = arith.constant 0 : i32
        %dma_wait3A_176 = tpu.memref_slice %arg7[%dma_wait3A_174, %dma_wait3A_175] : memref<10000x128xf32, #tpu.memory_space<vmem_shared>> -> memref<10000x128xf32, #tpu.memory_space<vmem_shared>>
        tpu.wait_indirect_dma semaphore(%arg14 : memref<!tpu.dma_semaphore, #tpu.memory_space<semaphore_mem>>) src(%arg10 : memref<128x128xf32, #tpu.memory_space<vmem>>) dst(%dma_wait3A_176 : memref<10000x128xf32, #tpu.memory_space<vmem_shared>>)
      } else {
      }
    }
    %scan3A_43 = arith.constant 10 : i32
    %eq3A_44 = arith.constant 0 : i32
    %eq3A_45 = arith.cmpi eq, %arg1, %eq3A_44 : i32
    %convert_element_type3A_46 = arith.extui %eq3A_45 : i1 to i32
    %cond3A_47 = arith.constant 0 : i32
    %cond3A_48 = arith.cmpi ne, %convert_element_type3A_46, %cond3A_47 : i32
    scf.if %cond3A_48 {
      "tpu.region"() ({
        %run_scoped3A_56 = tpu.sem_alloc : memref<!tpu.dma_semaphore, #tpu.memory_space<semaphore_mem>>
        %dma_start3A = arith.constant 0 : i32
        %dma_start3A_57 = arith.constant 0 : i32
        %dma_start3A_58 = tpu.memref_slice %arg9[%dma_start3A, %dma_start3A_57] : memref<8x128xi32, #tpu.memory_space<vmem>> -> memref<2x128xi32, #tpu.memory_space<vmem>>
        %dma_start3A_59 = arith.constant 1248 : i32
        %dma_start3A_60 = arith.constant 0 : i32
        %dma_start3A_61 = tpu.memref_slice %arg3[%arg0, %dma_start3A_59, %dma_start3A_60] : memref<2x1250x128xi32, #tpu.memory_space<hbm>> -> memref<1x2x128xi32, #tpu.memory_space<hbm>>
        %dma_start3A_62 = tpu.memref_squeeze %dma_start3A_61 : memref<1x2x128xi32, #tpu.memory_space<hbm>> -> memref<2x128xi32, #tpu.memory_space<hbm>>
        %dma_start3A_63 = arith.constant 0 : i32
        %dma_start3A_64 = arith.constant 0 : i32
        %dma_start3A_65 = tpu.memref_slice %arg9[%dma_start3A_63, %dma_start3A_64] : memref<8x128xi32, #tpu.memory_space<vmem>> -> memref<2x128xi32, #tpu.memory_space<vmem>>
        %dma_start3A_66 = arith.constant 1248 : i32
        %dma_start3A_67 = arith.constant 0 : i32
        %dma_start3A_68 = tpu.memref_slice %arg3[%arg0, %dma_start3A_66, %dma_start3A_67] : memref<2x1250x128xi32, #tpu.memory_space<hbm>> -> memref<1x2x128xi32, #tpu.memory_space<hbm>>
        %dma_start3A_69 = tpu.memref_squeeze %dma_start3A_68 : memref<1x2x128xi32, #tpu.memory_space<hbm>> -> memref<2x128xi32, #tpu.memory_space<hbm>>
        tpu.enqueue_dma source(%dma_start3A_69 : memref<2x128xi32, #tpu.memory_space<hbm>>) target(%dma_start3A_65 : memref<2x128xi32, #tpu.memory_space<vmem>>) target_semaphore(%run_scoped3A_56 : memref<!tpu.dma_semaphore, #tpu.memory_space<semaphore_mem>>)
        %dma_wait3A = arith.constant 0 : i32
        %dma_wait3A_70 = arith.constant 0 : i32
        %dma_wait3A_71 = tpu.memref_slice %arg9[%dma_wait3A, %dma_wait3A_70] : memref<8x128xi32, #tpu.memory_space<vmem>> -> memref<2x128xi32, #tpu.memory_space<vmem>>
        %dma_wait3A_72 = arith.constant 1248 : i32
        %dma_wait3A_73 = arith.constant 0 : i32
        %dma_wait3A_74 = tpu.memref_slice %arg3[%arg0, %dma_wait3A_72, %dma_wait3A_73] : memref<2x1250x128xi32, #tpu.memory_space<hbm>> -> memref<1x2x128xi32, #tpu.memory_space<hbm>>
        %dma_wait3A_75 = tpu.memref_squeeze %dma_wait3A_74 : memref<1x2x128xi32, #tpu.memory_space<hbm>> -> memref<2x128xi32, #tpu.memory_space<hbm>>
        %dma_wait3A_76 = arith.constant 0 : i32
        %dma_wait3A_77 = arith.constant 0 : i32
        %dma_wait3A_78 = tpu.memref_slice %arg9[%dma_wait3A_76, %dma_wait3A_77] : memref<8x128xi32, #tpu.memory_space<vmem>> -> memref<2x128xi32, #tpu.memory_space<vmem>>
        %dma_wait3A_79 = arith.constant 1248 : i32
        %dma_wait3A_80 = arith.constant 0 : i32
        %dma_wait3A_81 = tpu.memref_slice %arg3[%arg0, %dma_wait3A_79, %dma_wait3A_80] : memref<2x1250x128xi32, #tpu.memory_space<hbm>> -> memref<1x2x128xi32, #tpu.memory_space<hbm>>
        %dma_wait3A_82 = tpu.memref_squeeze %dma_wait3A_81 : memref<1x2x128xi32, #tpu.memory_space<hbm>> -> memref<2x128xi32, #tpu.memory_space<hbm>>
        tpu.wait_dma2 semaphore(%run_scoped3A_56 : memref<!tpu.dma_semaphore, #tpu.memory_space<semaphore_mem>>) src(%dma_wait3A_82 : memref<2x128xi32, #tpu.memory_space<hbm>>) dst(%dma_wait3A_78 : memref<2x128xi32, #tpu.memory_space<vmem>>)
        tpu.yield
      }) : () -> ()
      %run_scoped3A = arith.constant 0 : i32
      "tpu.region"() ({
        %run_scoped3A_56 = tpu.sem_alloc : memref<!tpu.dma_semaphore, #tpu.memory_space<semaphore_mem>>
        %dma_start3A = arith.constant 0 : i32
        %dma_start3A_57 = tpu.memref_slice %arg9[%run_scoped3A, %dma_start3A] : memref<8x128xi32, #tpu.memory_space<vmem>> -> memref<1x128xi32, #tpu.memory_space<vmem>>
        %dma_start3A_58 = tpu.memref_squeeze %dma_start3A_57 : memref<1x128xi32, #tpu.memory_space<vmem>> -> memref<128xi32, #tpu.memory_space<vmem>>
        %dma_start3A_59 = arith.constant 0 : i32
        %dma_start3A_60 = arith.constant 0 : i32
        %dma_start3A_61 = tpu.memref_slice %arg7[%dma_start3A_59, %dma_start3A_60] : memref<10000x128xf32, #tpu.memory_space<vmem_shared>> -> memref<10000x128xf32, #tpu.memory_space<vmem_shared>>
        tpu.enqueue_indirect_dma source(%arg10 : memref<128x128xf32, #tpu.memory_space<vmem>>) target(%dma_start3A_61 : memref<10000x128xf32, #tpu.memory_space<vmem_shared>>) offsets(%dma_start3A_58 : memref<128xi32, #tpu.memory_space<vmem>>) semaphore(%run_scoped3A_56 : memref<!tpu.dma_semaphore, #tpu.memory_space<semaphore_mem>>) {add = true}
        %dma_wait3A = arith.constant 0 : i32
        %dma_wait3A_62 = tpu.memref_slice %arg9[%run_scoped3A, %dma_wait3A] : memref<8x128xi32, #tpu.memory_space<vmem>> -> memref<1x128xi32, #tpu.memory_space<vmem>>
        %dma_wait3A_63 = tpu.memref_squeeze %dma_wait3A_62 : memref<1x128xi32, #tpu.memory_space<vmem>> -> memref<128xi32, #tpu.memory_space<vmem>>
        %dma_wait3A_64 = arith.constant 0 : i32
        %dma_wait3A_65 = arith.constant 0 : i32
        %dma_wait3A_66 = tpu.memref_slice %arg7[%dma_wait3A_64, %dma_wait3A_65] : memref<10000x128xf32, #tpu.memory_space<vmem_shared>> -> memref<10000x128xf32, #tpu.memory_space<vmem_shared>>
        tpu.wait_indirect_dma semaphore(%run_scoped3A_56 : memref<!tpu.dma_semaphore, #tpu.memory_space<semaphore_mem>>) src(%arg10 : memref<128x128xf32, #tpu.memory_space<vmem>>) dst(%dma_wait3A_66 : memref<10000x128xf32, #tpu.memory_space<vmem_shared>>)
        tpu.yield
      }) : () -> ()
      %run_scoped3A_55 = arith.constant 1 : i32
      "tpu.region"() ({
        %run_scoped3A_56 = tpu.sem_alloc : memref<!tpu.dma_semaphore, #tpu.memory_space<semaphore_mem>>
        %dma_start3A = arith.constant 0 : i32
        %dma_start3A_57 = tpu.memref_slice %arg9[%run_scoped3A_55, %dma_start3A] : memref<8x128xi32, #tpu.memory_space<vmem>> -> memref<1x128xi32, #tpu.memory_space<vmem>>
        %dma_start3A_58 = tpu.memref_squeeze %dma_start3A_57 : memref<1x128xi32, #tpu.memory_space<vmem>> -> memref<128xi32, #tpu.memory_space<vmem>>
        %dma_start3A_59 = arith.constant 0 : i32
        %dma_start3A_60 = arith.constant 0 : i32
        %dma_start3A_61 = tpu.memref_slice %arg7[%dma_start3A_59, %dma_start3A_60] : memref<10000x128xf32, #tpu.memory_space<vmem_shared>> -> memref<10000x128xf32, #tpu.memory_space<vmem_shared>>
        tpu.enqueue_indirect_dma source(%arg10 : memref<128x128xf32, #tpu.memory_space<vmem>>) target(%dma_start3A_61 : memref<10000x128xf32, #tpu.memory_space<vmem_shared>>) offsets(%dma_start3A_58 : memref<128xi32, #tpu.memory_space<vmem>>) semaphore(%run_scoped3A_56 : memref<!tpu.dma_semaphore, #tpu.memory_space<semaphore_mem>>) {add = true}
        %dma_wait3A = arith.constant 0 : i32
        %dma_wait3A_62 = tpu.memref_slice %arg9[%run_scoped3A_55, %dma_wait3A] : memref<8x128xi32, #tpu.memory_space<vmem>> -> memref<1x128xi32, #tpu.memory_space<vmem>>
        %dma_wait3A_63 = tpu.memref_squeeze %dma_wait3A_62 : memref<1x128xi32, #tpu.memory_space<vmem>> -> memref<128xi32, #tpu.memory_space<vmem>>
        %dma_wait3A_64 = arith.constant 0 : i32
        %dma_wait3A_65 = arith.constant 0 : i32
        %dma_wait3A_66 = tpu.memref_slice %arg7[%dma_wait3A_64, %dma_wait3A_65] : memref<10000x128xf32, #tpu.memory_space<vmem_shared>> -> memref<10000x128xf32, #tpu.memory_space<vmem_shared>>
        tpu.wait_indirect_dma semaphore(%run_scoped3A_56 : memref<!tpu.dma_semaphore, #tpu.memory_space<semaphore_mem>>) src(%arg10 : memref<128x128xf32, #tpu.memory_space<vmem>>) dst(%dma_wait3A_66 : memref<10000x128xf32, #tpu.memory_space<vmem_shared>>)
        tpu.yield
      }) : () -> ()
    } else {
    }
    %barrier3A_49 = arith.constant 0 : index
    tpu.barrier barrier_id(%barrier3A_49)
    %scan3A_50 = arith.constant 0 : i32
    %scan3A_51 = arith.constant 4 : i32
    %scan3A_52 = arith.addi %scan3A_50, %scan3A_51 : i32
    %scan3A_53 = arith.constant 1 : i32
    scf.for %scan3A_55 = %scan3A_50 to %scan3A_52 step %scan3A_53  : i32 {
      %mul3A = arith.constant 1 : i32
      %mul3A_56 = arith.muli %scan3A_55, %mul3A : i32
      %add3A = arith.constant 0 : i32
      %add3A_57 = arith.addi %add3A, %mul3A_56 : i32
      %mul3A_58 = arith.constant 16 : i32
      %mul3A_59 = arith.muli %add3A_57, %mul3A_58 : i32
      %add3A_60 = arith.addi %mul3A_59, %arg1 : i32
      %lt3A = arith.constant 50 : i32
      %lt3A_61 = arith.cmpi slt, %add3A_60, %lt3A : i32
      %convert_element_type3A_62 = arith.extui %lt3A_61 : i1 to i32
      %cond3A_63 = arith.constant 0 : i32
      %cond3A_64 = arith.cmpi ne, %convert_element_type3A_62, %cond3A_63 : i32
      scf.if %cond3A_64 {
        %mul3A_65 = arith.constant 200 : i32
        %mul3A_66 = arith.muli %add3A_60, %mul3A_65 : i32
        "tpu.region"() ({
          %run_scoped3A = tpu.sem_alloc : memref<!tpu.dma_semaphore, #tpu.memory_space<semaphore_mem>>
          %dma_start3A = arith.constant 0 : i32
          %dma_start3A_67 = tpu.memref_slice %arg6[%arg0, %mul3A_66, %dma_start3A] : memref<2x10000x128xf32, #tpu.memory_space<hbm>> -> memref<1x200x128xf32, #tpu.memory_space<hbm>>
          %dma_start3A_68 = tpu.memref_squeeze %dma_start3A_67 : memref<1x200x128xf32, #tpu.memory_space<hbm>> -> memref<200x128xf32, #tpu.memory_space<hbm>>
          %dma_start3A_69 = arith.constant 0 : i32
          %dma_start3A_70 = tpu.memref_slice %arg7[%mul3A_66, %dma_start3A_69] : memref<10000x128xf32, #tpu.memory_space<vmem_shared>> -> memref<200x128xf32, #tpu.memory_space<vmem_shared>>
          tpu.enqueue_dma source(%dma_start3A_70 : memref<200x128xf32, #tpu.memory_space<vmem_shared>>) target(%dma_start3A_68 : memref<200x128xf32, #tpu.memory_space<hbm>>) target_semaphore(%run_scoped3A : memref<!tpu.dma_semaphore, #tpu.memory_space<semaphore_mem>>)
          %dma_wait3A = arith.constant 0 : i32
          %dma_wait3A_71 = tpu.memref_slice %arg6[%arg0, %mul3A_66, %dma_wait3A] : memref<2x10000x128xf32, #tpu.memory_space<hbm>> -> memref<1x200x128xf32, #tpu.memory_space<hbm>>
          %dma_wait3A_72 = tpu.memref_squeeze %dma_wait3A_71 : memref<1x200x128xf32, #tpu.memory_space<hbm>> -> memref<200x128xf32, #tpu.memory_space<hbm>>
          %dma_wait3A_73 = arith.constant 0 : i32
          %dma_wait3A_74 = tpu.memref_slice %arg7[%mul3A_66, %dma_wait3A_73] : memref<10000x128xf32, #tpu.memory_space<vmem_shared>> -> memref<200x128xf32, #tpu.memory_space<vmem_shared>>
          tpu.wait_dma2 semaphore(%run_scoped3A : memref<!tpu.dma_semaphore, #tpu.memory_space<semaphore_mem>>) src(%dma_wait3A_74 : memref<200x128xf32, #tpu.memory_space<vmem_shared>>) dst(%dma_wait3A_72 : memref<200x128xf32, #tpu.memory_space<hbm>>)
          tpu.yield
        }) : () -> ()
      } else {
      }
    }
    %scan3A_54 = arith.constant 4 : i32
    return
  }
}

module attributes {stable_mosaic.version = 14 : i64} {
  func.func @_transform_body(%arg0: i32, %arg1: i32, %arg2: memref<1x1000x128xf32, #tpu.memory_space<vmem>>, %arg3: memref<1x128x128xf32, #tpu.memory_space<vmem>>, %arg4: memref<1x1000x128xf32, #tpu.memory_space<vmem>>) attributes {dimension_semantics = [#tpu.dimension_semantics<arbitrary>, #tpu.dimension_semantics<arbitrary>], iteration_bounds = array<i64: 2, 10>, scalar_prefetch = 0 : i64, scratch_operands = 0 : i64, tpu.core_type = #tpu.core_type<tc>, window_params = [{transform_indices = @transform_0, window_bounds = array<i64: 1, 1000, 128>}, {transform_indices = @transform_1, window_bounds = array<i64: 1, 128, 128>}, {transform_indices = @transform_2, window_bounds = array<i64: 1, 1000, 128>}]} {
    %get3A = arith.constant 0 : index
    %get3A_0 = arith.constant 0 : index
    %get3A_1 = arith.constant 0 : index
    %get3A_2 = vector.load %arg2[%get3A, %get3A_0, %get3A_1] : memref<1x1000x128xf32, #tpu.memory_space<vmem>>, vector<1x1000x128xf32>
    %get3A_3 = vector.shape_cast %get3A_2 : vector<1x1000x128xf32> to vector<1000x128xf32>
    %get3A_4 = arith.constant 0 : index
    %get3A_5 = arith.constant 0 : index
    %get3A_6 = arith.constant 0 : index
    %get3A_7 = vector.load %arg3[%get3A_4, %get3A_5, %get3A_6] : memref<1x128x128xf32, #tpu.memory_space<vmem>>, vector<1x128x128xf32>
    %get3A_8 = vector.shape_cast %get3A_7 : vector<1x128x128xf32> to vector<128x128xf32>
    %dot_general3A = arith.constant dense<0.000000e+00> : vector<1000x128xf32>
    %dot_general3A_9 = tpu.matmul %get3A_3, %get3A_8, %dot_general3A {dimension_numbers = #tpu.dot_dimension_numbers<[1], [0], [0], [1], [0, 0, 1, 1], [], []>, transpose_lhs_hint = false} : vector<1000x128xf32>, vector<128x128xf32>, vector<1000x128xf32> -> vector<1000x128xf32>
    %swap3A = arith.constant 0 : index
    %swap3A_10 = arith.constant 0 : index
    %swap3A_11 = arith.constant 0 : index
    %swap3A_12 = vector.load %arg4[%swap3A, %swap3A_10, %swap3A_11] : memref<1x1000x128xf32, #tpu.memory_space<vmem>>, vector<1x1000x128xf32>
    %swap3A_13 = vector.shape_cast %swap3A_12 : vector<1x1000x128xf32> to vector<1000x128xf32>
    %swap3A_14 = vector.shape_cast %dot_general3A_9 : vector<1000x128xf32> to vector<1x1000x128xf32>
    tpu.vector_store %arg4[%swap3A, %swap3A_10, %swap3A_11], %swap3A_14 {strides = array<i32>} : memref<1x1000x128xf32, #tpu.memory_space<vmem>>, vector<1x1000x128xf32>,
    return
  }
  func.func @transform_0(%arg0: i32, %arg1: i32) -> (i32, i32, i32) {
    %c0_i32 = arith.constant 0 : i32
    %c0_i32_0 = arith.constant 0 : i32
    return %arg0, %arg1, %c0_i32 : i32, i32, i32
  }
  func.func @transform_1(%arg0: i32, %arg1: i32) -> (i32, i32, i32) {
    %c0_i32 = arith.constant 0 : i32
    %c0_i32_0 = arith.constant 0 : i32
    %c0_i32_1 = arith.constant 0 : i32
    return %arg0, %c0_i32, %c0_i32_0 : i32, i32, i32
  }
  func.func @transform_2(%arg0: i32, %arg1: i32) -> (i32, i32, i32) {
    %c0_i32 = arith.constant 0 : i32
    %c0_i32_0 = arith.constant 0 : i32
    return %arg0, %arg1, %c0_i32 : i32, i32, i32
  }
}

module attributes {stable_mosaic.version = 14 : i64} {
  func.func @_combine_body(%arg0: i32, %arg1: memref<2x1000x128xf32, #tpu.memory_space<vmem>>, %arg2: memref<2x1000x128xf32, #tpu.memory_space<vmem>>, %arg3: memref<1000x128xf32, #tpu.memory_space<vmem>>, %arg4: memref<128x128xf32, #tpu.memory_space<vmem>>, %arg5: memref<128x128xf32, #tpu.memory_space<vmem>>, %arg6: memref<1x128xf32, #tpu.memory_space<vmem>>, %arg7: memref<1000x128xf32, #tpu.memory_space<vmem>>) attributes {dimension_semantics = [#tpu.dimension_semantics<arbitrary>], iteration_bounds = array<i64: 10>, scalar_prefetch = 0 : i64, scratch_operands = 0 : i64, tpu.core_type = #tpu.core_type<tc>, window_params = [{transform_indices = @transform_0, window_bounds = array<i64: 2, 1000, 128>}, {transform_indices = @transform_1, window_bounds = array<i64: 2, 1000, 128>}, {transform_indices = @transform_2, window_bounds = array<i64: 1000, 128>}, {pipeline_mode = #tpu.pipeline_mode<synchronous>, transform_indices = @transform_3, window_bounds = array<i64: 128, 128>}, {pipeline_mode = #tpu.pipeline_mode<synchronous>, transform_indices = @transform_4, window_bounds = array<i64: 128, 128>}, {pipeline_mode = #tpu.pipeline_mode<synchronous>, transform_indices = @transform_5, window_bounds = array<i64: 1, 128>}, {transform_indices = @transform_6, window_bounds = array<i64: 1000, 128>}]} {
    %get3A = arith.constant 0 : index
    %get3A_0 = arith.constant 0 : index
    %get3A_1 = vector.load %arg4[%get3A, %get3A_0] : memref<128x128xf32, #tpu.memory_space<vmem>>, vector<128x128xf32>
    %get3A_2 = arith.constant 0 : index
    %get3A_3 = arith.constant 0 : index
    %get3A_4 = vector.load %arg5[%get3A_2, %get3A_3] : memref<128x128xf32, #tpu.memory_space<vmem>>, vector<128x128xf32>
    %add3A = arith.addf %get3A_1, %get3A_4 : vector<128x128xf32>
    %get3A_5 = arith.constant 0 : index
    %get3A_6 = arith.constant 0 : index
    %get3A_7 = vector.load %arg3[%get3A_5, %get3A_6] : memref<1000x128xf32, #tpu.memory_space<vmem>>, vector<1000x128xf32>
    %dot_general3A = arith.constant dense<0.000000e+00> : vector<1000x128xf32>
    %dot_general3A_8 = tpu.matmul %get3A_7, %add3A, %dot_general3A {dimension_numbers = #tpu.dot_dimension_numbers<[1], [0], [0], [1], [0, 0, 1, 1], [], []>, transpose_lhs_hint = false} : vector<1000x128xf32>, vector<128x128xf32>, vector<1000x128xf32> -> vector<1000x128xf32>
    %get3A_9 = arith.constant 0 : index
    %get3A_10 = arith.constant 0 : index
    %get3A_11 = arith.constant 0 : index
    %get3A_12 = vector.load %arg2[%get3A_9, %get3A_10, %get3A_11] : memref<2x1000x128xf32, #tpu.memory_space<vmem>>, vector<1x1000x1xf32>
    %get3A_13 = vector.shape_cast %get3A_12 : vector<1x1000x1xf32> to vector<1000x1xf32>
    %max3A = arith.constant 1.000000e+00 : f32
    %max3A_14 = vector.broadcast %max3A : f32 to vector<1000x1xf32>
    %max3A_15 = arith.maximumf %get3A_13, %max3A_14 : vector<1000x1xf32>
    %get3A_16 = arith.constant 1 : index
    %get3A_17 = arith.constant 0 : index
    %get3A_18 = arith.constant 0 : index
    %get3A_19 = vector.load %arg2[%get3A_16, %get3A_17, %get3A_18] : memref<2x1000x128xf32, #tpu.memory_space<vmem>>, vector<1x1000x1xf32>
    %get3A_20 = vector.shape_cast %get3A_19 : vector<1x1000x1xf32> to vector<1000x1xf32>
    %max3A_21 = arith.constant 1.000000e+00 : f32
    %max3A_22 = vector.broadcast %max3A_21 : f32 to vector<1000x1xf32>
    %max3A_23 = arith.maximumf %get3A_20, %max3A_22 : vector<1000x1xf32>
    %get3A_24 = arith.constant 0 : index
    %get3A_25 = arith.constant 0 : index
    %get3A_26 = arith.constant 0 : index
    %get3A_27 = vector.load %arg1[%get3A_24, %get3A_25, %get3A_26] : memref<2x1000x128xf32, #tpu.memory_space<vmem>>, vector<1x1000x128xf32>
    %get3A_28 = vector.shape_cast %get3A_27 : vector<1x1000x128xf32> to vector<1000x128xf32>
    %div3A = vector.broadcast %max3A_15 : vector<1000x1xf32> to vector<1000x128xf32>
    %div3A_29 = arith.divf %get3A_28, %div3A : vector<1000x128xf32>
    %get3A_30 = arith.constant 1 : index
    %get3A_31 = arith.constant 0 : index
    %get3A_32 = arith.constant 0 : index
    %get3A_33 = vector.load %arg1[%get3A_30, %get3A_31, %get3A_32] : memref<2x1000x128xf32, #tpu.memory_space<vmem>>, vector<1x1000x128xf32>
    %get3A_34 = vector.shape_cast %get3A_33 : vector<1x1000x128xf32> to vector<1000x128xf32>
    %div3A_35 = vector.broadcast %max3A_23 : vector<1000x1xf32> to vector<1000x128xf32>
    %div3A_36 = arith.divf %get3A_34, %div3A_35 : vector<1000x128xf32>
    %add3A_37 = arith.addf %div3A_29, %div3A_36 : vector<1000x128xf32>
    %add3A_38 = arith.addf %add3A_37, %dot_general3A_8 : vector<1000x128xf32>
    %get3A_39 = arith.constant 0 : index
    %get3A_40 = arith.constant 0 : index
    %get3A_41 = vector.load %arg6[%get3A_39, %get3A_40] : memref<1x128xf32, #tpu.memory_space<vmem>>, vector<1x128xf32>
    %add3A_42 = vector.broadcast %get3A_41 : vector<1x128xf32> to vector<1000x128xf32>
    %add3A_43 = arith.addf %add3A_38, %add3A_42 : vector<1000x128xf32>
    %swap3A = arith.constant 0 : index
    %swap3A_44 = arith.constant 0 : index
    %swap3A_45 = vector.load %arg7[%swap3A, %swap3A_44] : memref<1000x128xf32, #tpu.memory_space<vmem>>, vector<1000x128xf32>
    tpu.vector_store %arg7[%swap3A, %swap3A_44], %add3A_43 {strides = array<i32>} : memref<1000x128xf32, #tpu.memory_space<vmem>>, vector<1000x128xf32>,
    return
  }
  func.func @transform_0(%arg0: i32) -> (i32, i32, i32) {
    %c0_i32 = arith.constant 0 : i32
    %c0_i32_0 = arith.constant 0 : i32
    %c0_i32_1 = arith.constant 0 : i32
    return %c0_i32, %arg0, %c0_i32_0 : i32, i32, i32
  }
  func.func @transform_1(%arg0: i32) -> (i32, i32, i32) {
    %c0_i32 = arith.constant 0 : i32
    %c0_i32_0 = arith.constant 0 : i32
    %c0_i32_1 = arith.constant 0 : i32
    return %c0_i32, %arg0, %c0_i32_0 : i32, i32, i32
  }
  func.func @transform_2(%arg0: i32) -> (i32, i32) {
    %c0_i32 = arith.constant 0 : i32
    %c0_i32_0 = arith.constant 0 : i32
    return %arg0, %c0_i32 : i32, i32
  }
  func.func @transform_3(%arg0: i32) -> (i32, i32) {
    %c0_i32 = arith.constant 0 : i32
    %c0_i32_0 = arith.constant 0 : i32
    %c0_i32_1 = arith.constant 0 : i32
    return %c0_i32, %c0_i32_0 : i32, i32
  }
  func.func @transform_4(%arg0: i32) -> (i32, i32) {
    %c0_i32 = arith.constant 0 : i32
    %c0_i32_0 = arith.constant 0 : i32
    %c0_i32_1 = arith.constant 0 : i32
    return %c0_i32, %c0_i32_0 : i32, i32
  }
  func.func @transform_5(%arg0: i32) -> (i32, i32) {
    %c0_i32 = arith.constant 0 : i32
    %c0_i32_0 = arith.constant 0 : i32
    %c0_i32_1 = arith.constant 0 : i32
    return %c0_i32, %c0_i32_0 : i32, i32
  }
  func.func @transform_6(%arg0: i32) -> (i32, i32) {
    %c0_i32 = arith.constant 0 : i32
    %c0_i32_0 = arith.constant 0 : i32
    return %arg0, %c0_i32 : i32, i32
  }
}

</mosaic_0001>

<sc_bundles>
// kernel: kernel.5.cloned.1.call-start
scs
__scs_entry_jumppad:
0x0: {  	(pc) =	sbr.rel $0x88, $3  }
0x1: {  	(tag) =	ssettag $0x0;
	lr =	simm.s32 $0x1  }
0x2: {  	[smem:$0x3F97] =	sst lr;
	_ =	strace $0xD0000000  }
0x3: {  	_ = 	snop  }
0x4: {  	_ = 	snop  }
0x5: {  	_ = 	snop  }
0x6: {  	_ = 	snop  }
0x7: {  	_ = 	snop  }
__scs_overlays_trampoline_lowered:
0x8: {  	[smem:$0x3FA6] =	sst s0  }
0x9: {  	[smem:$0x3FA7] =	sst s1  }
0xa: {  	[smem:$0x3FA8] =	sst s2  }
0xb: {  	[smem:$0x3FA9] =	sst s3  }
0xc: {  	[smem:$0x3FAA] =	sst s4  }
0xd: {  	[smem:$0x3FAB] =	sst s5  }
0xe: {  	[smem:$0x3FAC] =	sst s6  }
0xf: {  	[smem:$0x3FAD] =	sst s7  }
0x10: {  	[smem:$0x3FAE] =	sst s8  }
0x11: {  	[smem:$0x3FAF] =	sst s9;
	s0 =	simm.s32 @!p0 $0x0  }
0x12: {  	s1 =	sld [smem:$0x3F95];
	s0 =	simm.s32 @p0 $0x1  }
0x13: {  	[smem:$0x3FB0] =	sst s0;
	s0 =	simm.s32 @!p1 $0x0  }
0x14: {  	s2 =	sld [smem:$0x3F94];
	s0 =	simm.s32 @p1 $0x1  }
0x15: {  	[smem:$0x3FB1] =	sst s0;
	s0 =	simm.s32 @!p2 $0x0  }
0x16: {  	s3 =	sld [smem:$0x3FDB];
	s0 =	simm.s32 @p2 $0x1  }
0x17: {  	s4 =	simm.s32 $0x1BF5;
	[smem:$0x3FB3] =	sst s0  }
0x18: {  	s0 =	sld [smem:$0x3F96];
	_ =	swait.ge [sflag:s4], $0x0  }
0x19: {  	s7 =	sld [smem:$0x3F97]  }
0x1a: {  	s8 =	sadd.s32 $0xFFFFE003, lr  }
0x1b: {  	s9 =	sadd.s32 $0xFFFFFEF7, lr;
	s5 =	simm.s32 $0xFFFFFFFF;
	p2 =	slt.u32 s8, $0xFFFFF086  }
0x1c: {  	p1 =	slt.u32 s9, $0xF7A;
	s5 =	simm.s32 @!p2 $0x0  }
0x1d: {  	s5 =	simm.s32 @p1 $0x1;
	p0 =	seq.s32 s7, s2  }
0x1e: {  	s7 =	smul.u32 @!p0 $0xF7A, s2;
	p2 =	seq.s32 @!p0 s5, $0x0  }
0x1f: {  	s9 =	smul.u32 $0xF7A, s1;
	s8 =	simm.s32 @!p0 $0x1BF5;
	p2 =	por !p2, p0  }
0x20: {  	[sflag:s8] =	ssyncset.s32 @!p0 $0xFFFFF086;
	s6 =	sadd.s32 @!p0 s3, s7;
	s7 =	simm.s32 @!p0 $0x108  }
0x21: {  	s3 =	sadd.s32 s3, s9;
	s6 =	sadd.s32 @!p0 $0x88, s6;
	s7 =	simm.s32 @p2 $0x1082  }
0x22: {  	[simem:s7], [sflag:s8] =	dma.local @!p0 [hbm:s6], $0xF7A  }
0x23: {  	s9 =	sor.u32 $0xD0000000, s2;
	s6 =	simm.s32 $0x108;
	_ =	swait.ge @!p0 [sflag:s8], $0x0  }
0x24: {  	s3 =	sadd.s32 $0x88, s3;
	s6 =	simm.s32 @!p1 $0x1082;
	[sflag:s4] =	ssyncset.s32 $0xFFFFF086  }
0x25: {  	[simem:s6], [sflag:s4] =	dma.local [hbm:s3], $0xF7A  }
0x26: {  	[smem:$0x3F97] =	sst s1;
	(tag) =	ssettag s2;
	_ =	strace s9  }
0x27: {  	s1 =	sld [smem:$0x3FA7]  }
0x28: {  	s2 =	sld [smem:$0x3FA8]  }
0x29: {  	s4 =	sld [smem:$0x3FAA]  }
0x2a: {  	p0 =	seq.s32 s5, $0x0;
	s5 =	sld [smem:$0x3FAB]  }
0x2b: {  	s6 =	sld [smem:$0x3FAC]  }
0x2c: {  	s7 =	sld [smem:$0x3FAD]  }
0x2d: {  	s3 =	simm.s32 $0x108;
	s8 =	sld [smem:$0x3FAE]  }
0x2e: {  	s3 =	simm.s32 @!p0 $0x1082;
	s9 =	sld [smem:$0x3FAF]  }
0x2f: {  	lr =	sadd.s32 s0, s3;
	s0 =	sld [smem:$0x3FA6]  }
0x30: {  	s3 =	sld [smem:$0x3FA9]  }
0x31: {  	[smem:$0x3FB2] =	sst s10  }
0x32: {  	s10 =	sld [smem:$0x3FB0];
	_ =	sdelay $0x3  }
0x33: {  	p0 =	seq.s32 s10, $0x1;
	s10 =	sld [smem:$0x3FB2];
	_ =	sdelay $0x3  }
0x34: {  	[smem:$0x3FB2] =	sst s10  }
0x35: {  	s10 =	sld [smem:$0x3FB1];
	_ =	sdelay $0x3  }
0x36: {  	p1 =	seq.s32 s10, $0x1;
	s10 =	sld [smem:$0x3FB2];
	_ =	sdelay $0x3  }
0x37: {  	[smem:$0x3FB2] =	sst s10  }
0x38: {  	s10 =	sld [smem:$0x3FB3]  }
0x39: {  	_ = 	snop;
	(pc) =	sbr.ind lr, $3  }
0x3a: {  	_ = 	snop  }
0x3b: {  	_ = 	snop  }
0x3c: {  	p2 =	seq.s32 s10, $0x1;
	s10 =	sld [smem:$0x3FB2]  }
0x3d: {  	_ =	shalt  }
0x3e: {  	_ =	shalt  }
0x3f: {  	_ =	shalt  }
0x40: {  	_ =	shalt  }
0x41: {  	_ =	shalt  }
0x42: {  	_ =	shalt  }
0x43: {  	_ =	shalt  }
0x44: {  	_ =	shalt  }
0x45: {  	_ =	shalt  }
0x46: {  	_ =	shalt  }
0x47: {  	_ =	shalt  }
0x48: {  	_ =	shalt  }
0x49: {  	_ =	shalt  }
0x4a: {  	_ =	shalt  }
0x4b: {  	_ =	shalt  }
0x4c: {  	_ =	shalt  }
0x4d: {  	_ =	shalt  }
0x4e: {  	_ =	shalt  }
0x4f: {  	_ =	shalt  }
0x50: {  	_ =	shalt  }
0x51: {  	_ =	shalt  }
0x52: {  	_ =	shalt  }
0x53: {  	_ =	shalt  }
0x54: {  	_ =	shalt  }
0x55: {  	_ =	shalt  }
0x56: {  	_ =	shalt  }
0x57: {  	_ =	shalt  }
0x58: {  	_ =	shalt  }
0x59: {  	_ =	shalt  }
0x5a: {  	_ =	shalt  }
0x5b: {  	_ =	shalt  }
0x5c: {  	_ =	shalt  }
0x5d: {  	_ =	shalt  }
0x5e: {  	_ =	shalt  }
0x5f: {  	_ =	shalt  }
0x60: {  	_ =	shalt  }
0x61: {  	_ =	shalt  }
0x62: {  	_ =	shalt  }
0x63: {  	_ =	shalt  }
0x64: {  	_ =	shalt  }
0x65: {  	_ =	shalt  }
0x66: {  	_ =	shalt  }
0x67: {  	_ =	shalt  }
0x68: {  	_ =	shalt  }
0x69: {  	_ =	shalt  }
0x6a: {  	_ =	shalt  }
0x6b: {  	_ =	shalt  }
0x6c: {  	_ =	shalt  }
0x6d: {  	_ =	shalt  }
0x6e: {  	_ =	shalt  }
0x6f: {  	_ =	shalt  }
0x70: {  	_ =	shalt  }
0x71: {  	_ =	shalt  }
0x72: {  	_ =	shalt  }
0x73: {  	_ =	shalt  }
0x74: {  	_ =	shalt  }
0x75: {  	_ =	shalt  }
0x76: {  	_ =	shalt  }
0x77: {  	_ =	shalt  }
0x78: {  	_ =	shalt  }
0x79: {  	_ =	shalt  }
0x7a: {  	_ =	shalt  }
0x7b: {  	_ =	shalt  }
0x7c: {  	_ =	shalt  }
0x7d: {  	_ =	shalt  }
0x7e: {  	_ =	shalt  }
0x7f: {  	_ =	shalt  }
0x80: {  	_ =	shalt  }
0x81: {  	_ =	shalt  }
0x82: {  	_ =	shalt  }
0x83: {  	_ =	shalt  }
0x84: {  	_ =	shalt  }
0x85: {  	_ =	shalt  }
0x86: {  	_ =	shalt  }
0x87: {  	_ =	shalt  }
.Lfunc_end0:
.L_simem_size_0:
called_computation_lowered:
.L_overlay_start_0:
0x88: {  	s2 =	sld [smem:$0x3FD9]  }
0x89: {  	s3 =	sld [smem:$0x3FFE];
	_ =	sdelay $0x1  }
0x8a: {  	s1 =	srdreg.scid  }
0x8b: {  	s0 =	sand.u32 $0x1, s1  }
0x8c: {  	s17 =	sshll.u32 s0, $0xA;
	s2 =	sadd.s32 s3, s2  }
0x8d: {  	s2 =	sadd.s32 s2, s17  }
0x8e: {  	[smem:$0x3FBE] =	sst s2  }
0x8f: {  	_ = 	snop  }
0x90: {  	s2 =	sld [smem:$0x3FD0];
	(tm) =	ssettm $0x1  }
0x91: {  	s18 =	sld [smem:$0x3FFB];
	_ =	sdelay $0x3  }
0x92: {  	_ =	strace s18  }
0x93: {  	s3 =	sld [smem:$0x3FFC];
	_ =	sdelay $0x3  }
0x94: {  	_ =	strace s3  }
0x95: {  	s3 =	sld [smem:$0x3FFD];
	_ =	sdelay $0x3  }
0x96: {  	_ =	strace s3  }
0x97: {  	_ =	strace $0x8FFFFFFF  }
0x98: {  	s19 =	sld [smem:$0x3FDB];
	_ =	sdelay $0x1  }
0x99: {  	s4 =	simm.s32 $_scs_section_size  }
0x9a: {  	s5 =	simm.s32 $_size__tile_overlayer_lowered;
	s6 =	simm.s32 $_tile_overlayer_lowered  }
0x9b: {  	s22 =	simm.s32 $0x1BFF;
	s21 =	sshll.u32 s6, $0x1;
	s3 =	sadd.s32 s4, s19  }
0x9c: {  	s7 =	simm.s32 $0x0;
	s20 =	sshll.u32 s5, $0x1;
	s5 =	sadd.s32 s21, s3  }
0x9d: {  	[timem:s7], [sflag:s22] =	dma.local [hbm:s5], s20  }
0x9e: {  	_ =	swait.ge [sflag:s22], s20  }
0x9f: {  	s4 =	ssub.s32 $0x0, s20;
	[sflag:s22] =	ssyncset.done $0x0  }
0xa0: {  	[sflag:s22] =	ssyncadd.s32 s4;
	_ =	sdelay $0x1  }
0xa1: {  	s23 =	simm.s32 $0x1B8B  }
0xa2: {  	_ =	swait.ge [sflag:s23], $0x1  }
0xa3: {  	[sflag:s23] =	ssyncset.done $0x0  }
0xa4: {  	s25 =	simm.s32 $0x1B8E;
	s24 =	sld [smem:$0x3FFE];
	[sflag:s23] =	ssyncadd.s32 $0xFFFFFFFF  }
0xa5: {  	s26 =	simm.s32 $execute0_lowered;
	[smem:$0x3FD2] =	sst s25  }
0xa6: {  	s5 =	sshll.u32 s26, $0x1;
	_ =	strace $0x80000046;
	[dreg:$0x1] =	wrdreg $0xFFFFFFFF  }
0xa7: {  	s28 =	simm.s32 $_size_execute0_lowered;
	s3 =	sadd.s32 s3, s5;
	[dreg:$0x0] =	wrdreg $0x0  }
0xa8: {  	s5 =	sshll.u32 s28, $0x1;
	[dreg:$0x2] =	wrdreg s3  }
0xa9: {  	[dreg:$0x3] =	wrdreg s5  }
0xaa: {  	[dreg:$0x4] =	wrdreg $0xC0  }
0xab: {  	_ =	task [dreg:s7], $0x5FFFF  }
0xac: {  	[dreg:$0x1] =	wrdreg $0xFFFFFFFF  }
0xad: {  	[dreg:$0x0] =	wrdreg $0x60  }
0xae: {  	[dreg:$0x2] =	wrdreg s2  }
0xaf: {  	[dreg:$0x3] =	wrdreg s24  }
0xb0: {  	[dreg:$0x4] =	wrdreg $0x0  }
0xb1: {  	[dreg:$0x5] =	wrdreg $0x9  }
0xb2: {  	_ =	task.clear_ibuf [dreg:s7], $0x6FFFF;
	_ =	strace $0x90000046  }
0xb3: {  	s29 =	simm.s32 $0x9;
	_ =	strace $0x80000048  }
0xb4: {  	_ =	swait.ge [sflag:s29], $0x1  }
0xb5: {  	[sflag:s29] =	ssyncadd.s32 $0xFFFFFFFF  }
0xb6: {  	_ =	strace $0x90000048  }
0xb7: {  	_ =	sfence  }
0xb8: {  	s30 =	sld [smem:$0x0];
	_ =	sdelay $0x2  }
0xb9: {  	s31 =	sshll.u32 s1, $0xD;
	s1 =	sshrl.u32 s1, $0x2  }
0xba: {  	s3 =	sand.u32 $0x4000, s31;
	s1 =	sadd.s32 s1, s30  }
0xbb: {  	s0 =	sor.u32 s3, s0;
	s1 =	sshll.u32 s1, $0x11  }
0xbc: {  	s0 =	sor.u32 s1, s0  }
0xbd: {  	s0 =	sadd.s32 $0x8F2B, s0  }
0xbe: {  	[sflag:s0] =	ssyncadd.remote.s32 $0x1  }
0xbf: {  	_ =	sfence.sel $0xFFFF  }
0xc0: {  	[dreg:$0x0] =	wrdreg $0xFFFFFFFF;
	(pc) =	sbr.abs _section_cstart, $3  }
0xc1: {  	[dreg:$0x1] =	wrdreg $0xFFFFFFFF  }
0xc2: {  	_ =	task.clear_ibuf [dreg:s7], $0x2FFFF;
	_ =	strace $0x9FFFFFFF  }
0xc3: {  	(tm) =	ssettm $0x7FFFFFFF  }
tec
execute0_lowered:
.L_overlay_start_1:
0x0: {  	(tag) =	ssettag $0x1  }
0x1: {  	s0 =	rddreg [dreg:$0x0]  }
0x2: {  	s4 =	rddreg [dreg:$0x1]  }
0x3: {  	s1 =	rddreg [dreg:$0x2];
	s2 =	simm.s32 $0x0;
	s5 =	srdreg.scid  }
0x4: {  	s31 =	simm.s32 $0x14080;
	s29 =	simm.s32 $0x13900;
	s30 =	simm.s32 $0x13980  }
0x5: {  	s6 =	sadd.s32 $0x1A00, s4;
	s3 =	sadd.s32 $0xB800, s4;
	s5 =	sand.u32 $0x1, s5  }
0x6: {  	s7 =	sadd.s32 $0x59A00, s4;
	s10 =	sadd.s32 $0xA7C00, s4;
	s9 =	smul.u32 $0x27400, s5  }
0x7: {  	s4 =	stileid.u32;
	s8 =	ssub.s32 $0x2, s5;
	s5 =	smul.u32 $0x138800, s5  }
0x8: {  	s28 =	simm.s32 $0x14000;
	[smem:$0x7FF] =	sst s2;
	s12 =	smul.u32 $0xA000, s4  }
0x9: {  	_ =	strace $0x80000047;
	s13 =	sor.u32 $0x10, s4;
	s20 =	smul.u32 $0x6400, s4  }
0xa: {  	s15 =	sor.u32 $0x30, s4;
	s25 =	sshll.u32 s4, $0xA;
	s21 =	smul.u32 $0x6400, s13  }
0xb: {  	p2 =	sne.s32 s4, $0x0;
	s11 =	sshrl.u32 s8, $0x1;
	s17 =	smul.u32 $0x6400, s15  }
0xc: {  	p1 =	sgt.u32 s15, $0x31;
	s8 =	ssub.s32 s8, s11;
	s18 =	sshrl.u32 s9, $0x3  }
0xd: {  	s19 =	sshrl.u32 s12, $0x2;
	s12 =	sadd.s32 s5, s20;
	s9 =	sadd.s32 s25, s9  }
0xe: {  	s11 =	sadd.s32 $0x4E00, s18;
	s8 =	smax.u32 s8, $0x1;
	s23 =	sadd.s32 s19, s1  }
0xf: {  	s12 =	sshrl.u32 s12, $0x3;
	s14 =	sadd.s32 s0, s11;
	[dreg:$0x6] =	wrdreg s8  }
0x10: {  	s24 =	sadd.s32 s6, s11;
	s11 =	smul.u32 $0xA000, s13;
	[dreg:$0x7] =	wrdreg s23  }
0x11: {  	s8 =	sor.u32 $0x20, s4;
	s18 =	sadd.s32 s7, s12;
	[dreg:$0x4] =	wrdreg s14  }
0x12: {  	s16 =	smul.u32 $0x6400, s8;
	s14 =	sadd.s32 s5, s21;
	[dreg:$0x8] =	wrdreg s18  }
0x13: {  	s19 =	smul.u32 $0xA000, s8;
	s18 =	sadd.s32 s10, s12;
	[dreg:$0x5] =	wrdreg s24  }
0x14: {  	s12 =	sor.u32 $0x70, s4;
	s14 =	sshrl.u32 s14, $0x3;
	[dreg:$0xc] =	wrdreg s18  }
0x15: {  	p0 =	sgt.u32 s12, $0x7C;
	s22 =	sadd.s32 s7, s14;
	s16 =	sadd.s32 s5, s16  }
0x16: {  	s5 =	sadd.s32 s5, s17;
	s20 =	sadd.s32 s10, s14;
	[dreg:$0x9] =	wrdreg s22  }
0x17: {  	s14 =	sshrl.u32 s11, $0x2;
	s16 =	sshrl.u32 s16, $0x3;
	[dreg:$0xd] =	wrdreg s20  }
0x18: {  	s22 =	smul.u32 $0xA000, s15;
	s25 =	sadd.s32 s14, s1;
	s14 =	sadd.s32 $0xC8000, s23  }
0x19: {  	s5 =	sshrl.u32 s5, $0x3;
	s20 =	smul.u32 $0x19000, s4;
	[dreg:$0x19] =	wrdreg s14  }
0x1a: {  	s26 =	sadd.s32 s7, s16;
	s7 =	sadd.s32 s7, s5;
	[dreg:$0x10] =	wrdreg s25  }
0x1b: {  	s21 =	sadd.s32 s10, s16;
	s5 =	sadd.s32 s10, s5;
	[dreg:$0xa] =	wrdreg s26  }
0x1c: {  	s10 =	sshrl.u32 s9, $0x3;
	s16 =	sshrl.u32 s19, $0x2;
	[dreg:$0xb] =	wrdreg s7  }
0x1d: {  	s19 =	smul.u32 $0x19000, s13;
	s13 =	sadd.s32 $0xA0000, s23;
	[dreg:$0xe] =	wrdreg s21  }
0x1e: {  	s14 =	simm.s32 $0x3;
	[dreg:$0xf] =	wrdreg s5;
	s17 =	sadd.s32 s10, s6  }
0x1f: {  	s18 =	sadd.s32 s10, s0;
	s0 =	smul.u32 $0xA000, s12;
	s26 =	sadd.s32 s16, s1  }
0x20: {  	s5 =	sshrl.u32 s22, $0x2;
	s21 =	smul.u32 $0x19000, s8;
	s6 =	sshrl.u32 s20, $0x2  }
0x21: {  	s22 =	smul.u32 $0x19000, s15;
	[dreg:$0x18] =	wrdreg s13;
	s15 =	sadd.s32 $0xF0000, s23  }
0x22: {  	s7 =	simm.s32 $0x13C80;
	s16 =	simm.s32 $0x0;
	[dreg:$0x1a] =	wrdreg s15  }
0x23: {  	s13 =	simm.s32 $0x2;
	s8 =	simm.s32 $0x13E80;
	[dreg:$0x1b] =	wrdreg s16  }
0x24: {  	s20 =	simm.s32 $0x13F00;
	s5 =	sadd.s32 s5, s1;
	[dreg:$0x11] =	wrdreg s26  }
0x25: {  	s6 =	sadd.s32 s6, s1;
	s9 =	sshrl.u32 s19, $0x2;
	[dreg:$0x12] =	wrdreg s5  }
0x26: {  	s19 =	simm.s32 $0x13B80;
	s0 =	sshrl.u32 s0, $0x2;
	[dreg:$0x14] =	wrdreg s6  }
0x27: {  	s10 =	sshrl.u32 s21, $0x2;
	s11 =	sshrl.u32 s22, $0x2;
	s5 =	simm.s32 $0x13880  }
0x28: {  	s6 =	simm.s32 $0x13B00;
	s21 =	simm.s32 $0x13C00;
	s0 =	sadd.s32 s0, s1  }
0x29: {  	s22 =	simm.s32 $0x13F80;
	s12 =	sadd.s32 s11, s1;
	[dreg:$0x13] =	wrdreg s0  }
0x2a: {  	s0 =	sadd.s32 s9, s1;
	[dreg:$0x17] =	wrdreg s12;
	s9 =	simm.s32 $0x80  }
0x2b: {  	s12 =	simm.s32 $0x18080;
	[dreg:$0x15] =	wrdreg s0;
	s0 =	sadd.s32 s10, s1  }
0x2c: {  	v0 =	vimm.f32 $0.0e+00;
	v1 =	vimm.f32 $1.000000000e+00;
	s10 =	simm.s32 $0x1;
	[dreg:$0x16] =	wrdreg s0;
	s0 =	simm.s32 $0x4  }
.LBB2_1:
0x2d: {  	s11 =	simm.s32 $0x70;
	s15 =	simm.s32 $0x3C0  }
.LBB2_2:
0x2e: {  	p3 =	sne.s32 s15, $0x9FC0;
	[tilespmem:s11+$0x14080] =	vst v0  }
0x2f: {  	[tilespmem:s11+$0x14010] =	vst v0  }
0x30: {  	[tilespmem:s11+$0x14020] =	vst v0  }
.Ltmp0:
0x31: {  	[tilespmem:s11+$0x14030] =	vst v0;
	(pc) =	sbr.rel @p3 .LBB2_2-.Ltmp0, $4  }
0x32: {  	[tilespmem:s11+$0x14040] =	vst v0  }
0x33: {  	[tilespmem:s11+$0x14050] =	vst v0  }
0x34: {  	[tilespmem:s11+$0x14060] =	vst v0  }
0x35: {  	[tilespmem:s11+$0x14070] =	vst v0;
	s11 =	sshra.s32 s15, $0x2;
	s15 =	sadd.s32 $0x200, s15  }
0x36: {  	[tilespmem:s11+$0x14080] =	vst v0  }
0x37: {  	[tilespmem:s11+$0x14010] =	vst v0  }
0x38: {  	[tilespmem:s11+$0x14020] =	vst v0  }
0x39: {  	[tilespmem:s11+$0x14030] =	vst v0  }
0x3a: {  	[tilespmem:s11+$0x14040] =	vst v0  }
0x3b: {  	[tilespmem:s11+$0x14050] =	vst v0  }
0x3c: {  	[tilespmem:s11+$0x14060] =	vst v0  }
0x3d: {  	[tilespmem:s11+$0x14070] =	vst v0  }
0x3e: {  	[spmem:s23] =	stream.linear.scatter [tilespmem:s31], [sflag:$0x4], $0x2800, $0x38;
	[tilespmem:$0x1C080] =	vst v63  }
0x3f: {  	_ =	swait.ge [sflag:s0], $0x2800  }
0x40: {  	[sflag:s0] =	ssyncset.done $0x0  }
0x41: {  	[sflag:s0] =	ssyncadd.s32 $0xFFFFD800  }
0x42: {  	[spmem:s25] =	stream.linear.scatter [tilespmem:s31], [sflag:$0x4], $0x2800, $0x38;
	[tilespmem:$0x1C080] =	vst v63  }
0x43: {  	_ =	swait.ge [sflag:s0], $0x2800  }
0x44: {  	[sflag:s0] =	ssyncset.done $0x0  }
0x45: {  	[sflag:s0] =	ssyncadd.s32 $0xFFFFD800  }
0x46: {  	[spmem:s26] =	stream.linear.scatter [tilespmem:s31], [sflag:$0x4], $0x2800, $0x38;
	[tilespmem:$0x1C080] =	vst v63  }
0x47: {  	_ =	swait.ge [sflag:s0], $0x2800  }
0x48: {  	[sflag:s0] =	ssyncset.done $0x0  }
0x49: {  	s15 =	rddreg [dreg:$0x12];
	[sflag:s0] =	ssyncadd.s32 $0xFFFFD800  }
0x4a: {  	[spmem:s15] =	stream.linear.scatter [tilespmem:s31], [sflag:$0x4], $0x2800, $0x38;
	[tilespmem:$0x1C080] =	vst v63  }
0x4b: {  	_ =	swait.ge [sflag:s0], $0x2800  }
0x4c: {  	[sflag:s0] =	ssyncset.done $0x0  }
0x4d: {  	s16 =	rddreg [dreg:$0x18];
	[sflag:s0] =	ssyncadd.s32 $0xFFFFD800  }
0x4e: {  	[spmem:s16] =	stream.linear.scatter [tilespmem:s31], [sflag:$0x4], $0x2800, $0x38;
	[tilespmem:$0x1C080] =	vst v63  }
0x4f: {  	_ =	swait.ge [sflag:s0], $0x2800  }
0x50: {  	[sflag:s0] =	ssyncset.done $0x0  }
0x51: {  	s15 =	rddreg [dreg:$0x19];
	[sflag:s0] =	ssyncadd.s32 $0xFFFFD800  }
0x52: {  	[spmem:s15] =	stream.linear.scatter [tilespmem:s31], [sflag:$0x4], $0x2800, $0x38;
	[tilespmem:$0x1C080] =	vst v63  }
0x53: {  	_ =	swait.ge [sflag:s0], $0x2800  }
0x54: {  	[sflag:s0] =	ssyncset.done $0x0  }
0x55: {  	s16 =	rddreg [dreg:$0x1a];
	[sflag:s0] =	ssyncadd.s32 $0xFFFFD800  }
0x56: {  	[spmem:s16] =	stream.linear.scatter [tilespmem:s31], [sflag:$0x4], $0x2800, $0x38;
	[tilespmem:$0x1C080] =	vst v63  }
0x57: {  	_ =	swait.ge [sflag:s0], $0x2800  }
0x58: {  	[sflag:s0] =	ssyncset.done $0x0  }
0x59: {  	s11 =	simm.s32 @!p0 $0x14080;
	s15 =	rddreg [dreg:$0x13];
	[sflag:s0] =	ssyncadd.s32 $0xFFFFD800  }
0x5a: {  	[spmem:s15] =	stream.linear.scatter @!p0 [tilespmem:s11], [sflag:$0x4], $0x2800, $0x38;
	[tilespmem:$0x1C080] =	vst v63  }
0x5b: {  	s11 =	simm.s32 @!p0 $0x4  }
.Ltmp1:
0x5c: {  	_ =	swait.ge @!p0 [sflag:s11], $0x2800;
	(pc) =	sbr.rel .LBB2_4-.Ltmp1, $4  }
0x5d: {  	[sflag:s11] =	ssyncset.done @!p0 $0x0  }
0x5e: {  	[sflag:s11] =	ssyncadd.s32 @!p0 $0xFFFFD800  }
0x5f: {  	[bflag:$0x0] =	sbarrier.arrive $0xFFFF  }
0x60: {  	s15 =	stileid.u32;
	s11 =	simm.s32 $0x0  }
.LBB2_6:
0x61: {  	s11 =	sadd.s32 $0x800, s11  }
0x62: {  	p3 =	sne.s32 s11, $0x5000  }
.Ltmp2:
0x63: {  	_ = 	snop;
	(pc) =	sbr.rel @!p3 .LBB2_7-.Ltmp2, $2  }
0x64: {  	_ =	sdelay $0x2  }
0x65: {  	s15 =	sadd.s32 $0x10, s15  }
.LBB2_4:
0x66: {  	p3 =	sgt.u32 s15, $0x9B  }
.Ltmp3:
0x67: {  	_ = 	snop;
	(pc) =	sbr.rel @p3 .LBB2_6-.Ltmp3, $1  }
0x68: {  	_ =	sdelay $0x3  }
0x69: {  	s16 =	sadd.s32 s11, s18  }
0x6a: {  	[tilespmem:s5], [sflag:$0x4] =	stream.linear.gather [hbm4b:s16+s2], $0x400, $0x38;
	[tilespmem:$0x1C080] =	vst v63  }
0x6b: {  	_ =	swait.ge [sflag:s0], $0x400  }
0x6c: {  	[sflag:s0] =	ssyncset.done $0x0  }
0x6d: {  	s16 =	sadd.s32 s11, s17;
	[sflag:s0] =	ssyncadd.s32 $0xFFFFFC00  }
0x6e: {  	[tilespmem:s7], [sflag:$0x4] =	stream.linear.gather [hbm4b:s16+s2], $0x400, $0x38;
	[tilespmem:$0x1C080] =	vst v63  }
0x6f: {  	_ =	swait.ge [sflag:s0], $0x400  }
0x70: {  	[sflag:s0] =	ssyncset.done $0x0  }
0x71: {  	[sflag:s0] =	ssyncadd.s32 $0xFFFFFC00  }
0x72: {  	[tilespmem:s31], [sflag:$0x1] =	stream.indirect.gather [hbm4b:s3+s9], $0x80, s5, s9, $0xb8;
	[tilespmem:$0x1C080] =	vst v63  }
0x73: {  	_ =	swait.ge [sflag:s10], $0x4000  }
0x74: {  	[sflag:s10] =	ssyncset.done $0x0  }
0x75: {  	[sflag:s10] =	ssyncadd.s32 $0xFFFFC000  }
0x76: {  	[tilespmem:s12], [sflag:$0x2] =	stream.indirect.gather [hbm4b:s3+s9], $0x80, s29, s9, $0xb8;
	[tilespmem:$0x1C080] =	vst v63  }
0x77: {  	_ = 	snop  }
0x78: {  	[spmem:s1] =	stream.indirect.scatter.add.f32 [tilespmem:s31], [sflag:$0x3], $0x80, s7, s9, $0xb8;
	[tilespmem:$0x1C080] =	vst v63  }
0x79: {  	_ =	swait.ge [sflag:s13], $0x4000  }
0x7a: {  	[sflag:s13] =	ssyncset.done $0x0  }
0x7b: {  	[sflag:s13] =	ssyncadd.s32 $0xFFFFC000  }
0x7c: {  	_ =	swait.ge [sflag:s14], $0x4000  }
0x7d: {  	[sflag:s14] =	ssyncset.done $0x0  }
0x7e: {  	[sflag:s14] =	ssyncadd.s32 $0xFFFFC000  }
0x7f: {  	[tilespmem:s31], [sflag:$0x1] =	stream.indirect.gather [hbm4b:s3+s9], $0x80, s30, s9, $0xb8;
	[tilespmem:$0x1C080] =	vst v63  }
0x80: {  	s16 =	simm.s32 $0x13D00  }
0x81: {  	[spmem:s1] =	stream.indirect.scatter.add.f32 [tilespmem:s12], [sflag:$0x3], $0x80, s16, s9, $0xb8;
	[tilespmem:$0x1C080] =	vst v63  }
0x82: {  	_ =	swait.ge [sflag:s10], $0x4000  }
0x83: {  	[sflag:s10] =	ssyncset.done $0x0  }
0x84: {  	[sflag:s10] =	ssyncadd.s32 $0xFFFFC000  }
0x85: {  	_ =	swait.ge [sflag:s14], $0x4000  }
0x86: {  	[sflag:s14] =	ssyncset.done $0x0  }
0x87: {  	s16 =	simm.s32 $0x13A00;
	[sflag:s14] =	ssyncadd.s32 $0xFFFFC000  }
0x88: {  	[tilespmem:s12], [sflag:$0x2] =	stream.indirect.gather [hbm4b:s3+s9], $0x80, s16, s9, $0xb8;
	[tilespmem:$0x1C080] =	vst v63  }
0x89: {  	s16 =	simm.s32 $0x13D80  }
0x8a: {  	[spmem:s1] =	stream.indirect.scatter.add.f32 [tilespmem:s31], [sflag:$0x3], $0x80, s16, s9, $0xb8;
	[tilespmem:$0x1C080] =	vst v63  }
0x8b: {  	_ =	swait.ge [sflag:s13], $0x4000  }
0x8c: {  	[sflag:s13] =	ssyncset.done $0x0  }
0x8d: {  	[sflag:s13] =	ssyncadd.s32 $0xFFFFC000  }
0x8e: {  	_ =	swait.ge [sflag:s14], $0x4000  }
0x8f: {  	[sflag:s14] =	ssyncset.done $0x0  }
0x90: {  	s16 =	simm.s32 $0x13A80;
	[sflag:s14] =	ssyncadd.s32 $0xFFFFC000  }
0x91: {  	[tilespmem:s31], [sflag:$0x1] =	stream.indirect.gather [hbm4b:s3+s9], $0x80, s16, s9, $0xb8;
	[tilespmem:$0x1C080] =	vst v63  }
0x92: {  	s16 =	simm.s32 $0x13E00  }
0x93: {  	[spmem:s1] =	stream.indirect.scatter.add.f32 [tilespmem:s12], [sflag:$0x3], $0x80, s16, s9, $0xb8;
	[tilespmem:$0x1C080] =	vst v63  }
0x94: {  	_ =	swait.ge [sflag:s10], $0x4000  }
0x95: {  	[sflag:s10] =	ssyncset.done $0x0  }
0x96: {  	[sflag:s10] =	ssyncadd.s32 $0xFFFFC000  }
0x97: {  	_ =	swait.ge [sflag:s14], $0x4000  }
0x98: {  	[sflag:s14] =	ssyncset.done $0x0  }
0x99: {  	[sflag:s14] =	ssyncadd.s32 $0xFFFFC000  }
0x9a: {  	[tilespmem:s12], [sflag:$0x2] =	stream.indirect.gather [hbm4b:s3+s9], $0x80, s6, s9, $0xb8;
	[tilespmem:$0x1C080] =	vst v63  }
0x9b: {  	_ = 	snop  }
0x9c: {  	[spmem:s1] =	stream.indirect.scatter.add.f32 [tilespmem:s31], [sflag:$0x3], $0x80, s8, s9, $0xb8;
	[tilespmem:$0x1C080] =	vst v63  }
0x9d: {  	_ =	swait.ge [sflag:s13], $0x4000  }
0x9e: {  	[sflag:s13] =	ssyncset.done $0x0  }
0x9f: {  	[sflag:s13] =	ssyncadd.s32 $0xFFFFC000  }
0xa0: {  	_ =	swait.ge [sflag:s14], $0x4000  }
0xa1: {  	[sflag:s14] =	ssyncset.done $0x0  }
0xa2: {  	[sflag:s14] =	ssyncadd.s32 $0xFFFFC000  }
0xa3: {  	[tilespmem:s31], [sflag:$0x1] =	stream.indirect.gather [hbm4b:s3+s9], $0x80, s19, s9, $0xb8;
	[tilespmem:$0x1C080] =	vst v63  }
0xa4: {  	_ = 	snop  }
0xa5: {  	[spmem:s1] =	stream.indirect.scatter.add.f32 [tilespmem:s12], [sflag:$0x3], $0x80, s20, s9, $0xb8;
	[tilespmem:$0x1C080] =	vst v63  }
0xa6: {  	_ =	swait.ge [sflag:s10], $0x4000  }
0xa7: {  	[sflag:s10] =	ssyncset.done $0x0  }
0xa8: {  	[sflag:s10] =	ssyncadd.s32 $0xFFFFC000  }
0xa9: {  	_ =	swait.ge [sflag:s14], $0x4000  }
0xaa: {  	[sflag:s14] =	ssyncset.done $0x0  }
0xab: {  	[sflag:s14] =	ssyncadd.s32 $0xFFFFC000  }
0xac: {  	[tilespmem:s12], [sflag:$0x2] =	stream.indirect.gather [hbm4b:s3+s9], $0x80, s21, s9, $0xb8;
	[tilespmem:$0x1C080] =	vst v63  }
0xad: {  	_ = 	snop  }
0xae: {  	[spmem:s1] =	stream.indirect.scatter.add.f32 [tilespmem:s31], [sflag:$0x3], $0x80, s22, s9, $0xb8;
	[tilespmem:$0x1C080] =	vst v63  }
0xaf: {  	_ =	swait.ge [sflag:s13], $0x4000  }
0xb0: {  	[sflag:s13] =	ssyncset.done $0x0  }
0xb1: {  	[sflag:s13] =	ssyncadd.s32 $0xFFFFC000  }
0xb2: {  	[spmem:s1] =	stream.indirect.scatter.add.f32 [tilespmem:s12], [sflag:$0x3], $0x80, s28, s9, $0xb8;
	[tilespmem:$0x1C080] =	vst v63  }
0xb3: {  	_ =	swait.ge [sflag:s14], $0x4000  }
.Ltmp4:
0xb4: {  	[sflag:s14] =	ssyncset.done $0x0;
	(pc) =	sbr.rel .LBB2_6-.Ltmp4, $4  }
0xb5: {  	[sflag:s14] =	ssyncadd.s32 $0xFFFFC000  }
0xb6: {  	_ =	swait.ge [sflag:s14], $0x4000  }
0xb7: {  	[sflag:s14] =	ssyncset.done $0x0  }
0xb8: {  	[sflag:s14] =	ssyncadd.s32 $0xFFFFC000  }
.LBB2_7:
0xb9: {  	s11 =	simm.s32 @!p2 $0x0;
	s15 =	simm.s32 @!p2 $0x13880;
	s16 =	rddreg [dreg:$0x4]  }
0xba: {  	[tilespmem:s15], [sflag:$0x4] =	stream.linear.gather @!p2 [hbm4b:s16+s11], $0x100, $0x38;
	[tilespmem:$0x1C080] =	vst v63  }
0xbb: {  	s16 =	simm.s32 @!p2 $0x4  }
0xbc: {  	_ =	swait.ge @!p2 [sflag:s16], $0x100  }
0xbd: {  	[sflag:s16] =	ssyncset.done @!p2 $0x0  }
0xbe: {  	s29 =	simm.s32 @!p2 $0x13C80;
	[sflag:s16] =	ssyncadd.s32 @!p2 $0xFFFFFF00  }
0xbf: {  	[tilespmem:s29], [sflag:$0x4] =	stream.linear.gather @!p2 [hbm4b:s24+s11], $0x100, $0x38;
	[tilespmem:$0x1C080] =	vst v63  }
0xc0: {  	_ =	swait.ge @!p2 [sflag:s16], $0x100  }
0xc1: {  	[sflag:s16] =	ssyncset.done @!p2 $0x0  }
0xc2: {  	s30 =	simm.s32 @!p2 $0x14080;
	s11 =	simm.s32 @!p2 $0x80;
	[sflag:s16] =	ssyncadd.s32 @!p2 $0xFFFFFF00  }
0xc3: {  	[tilespmem:s30], [sflag:$0x4] =	stream.indirect.gather @!p2 [hbm4b:s3+s11], $0x80, s15, s11, $0xb8;
	[tilespmem:$0x1C080] =	vst v63  }
0xc4: {  	_ =	swait.ge @!p2 [sflag:s16], $0x4000  }
0xc5: {  	[sflag:s16] =	ssyncset.done @!p2 $0x0  }
0xc6: {  	[sflag:s16] =	ssyncadd.s32 @!p2 $0xFFFFC000  }
0xc7: {  	[spmem:s1] =	stream.indirect.scatter.add.f32 @!p2 [tilespmem:s30], [sflag:$0x4], $0x80, s29, s11, $0xb8;
	[tilespmem:$0x1C080] =	vst v63  }
0xc8: {  	_ =	swait.ge @!p2 [sflag:s16], $0x4000  }
0xc9: {  	[sflag:s16] =	ssyncset.done @!p2 $0x0  }
0xca: {  	s15 =	simm.s32 @!p2 $0x13900;
	[sflag:s16] =	ssyncadd.s32 @!p2 $0xFFFFC000  }
0xcb: {  	[tilespmem:s30], [sflag:$0x4] =	stream.indirect.gather @!p2 [hbm4b:s3+s11], $0x80, s15, s11, $0xb8;
	[tilespmem:$0x1C080] =	vst v63  }
0xcc: {  	_ =	swait.ge @!p2 [sflag:s16], $0x4000  }
0xcd: {  	[sflag:s16] =	ssyncset.done @!p2 $0x0  }
0xce: {  	s15 =	simm.s32 @!p2 $0x13D00;
	[sflag:s16] =	ssyncadd.s32 @!p2 $0xFFFFC000  }
0xcf: {  	[spmem:s1] =	stream.indirect.scatter.add.f32 @!p2 [tilespmem:s30], [sflag:$0x4], $0x80, s15, s11, $0xb8;
	[tilespmem:$0x1C080] =	vst v63  }
0xd0: {  	_ =	swait.ge @!p2 [sflag:s16], $0x4000  }
0xd1: {  	[sflag:s16] =	ssyncset.done @!p2 $0x0  }
0xd2: {  	[sflag:s16] =	ssyncadd.s32 @!p2 $0xFFFFC000  }
0xd3: {  	[bflag:$0x0] =	sbarrier.arrive $0xFFFF  }
0xd4: {  	s16 =	rddreg [dreg:$0x14]  }
0xd5: {  	s15 =	sshll.u32 s4, $0x6;
	s29 =	rddreg [dreg:$0x8];
	s24 =	sshrl.u32 s16, $0x3  }
0xd6: {  	s30 =	sor.u32 $0x1C04, s15;
	[dreg:$0x1c] =	wrdreg s24  }
0xd7: {  	[hbm:s29], [sflag:s30] =	dma.local [spmem:s24], $0xC80  }
0xd8: {  	_ =	swait.ge [sflag:s0], $0xC80  }
0xd9: {  	s16 =	rddreg [dreg:$0x15]  }
0xda: {  	[sflag:s0] =	ssyncset.done $0x0;
	s29 =	rddreg [dreg:$0x9];
	s24 =	sshrl.u32 s16, $0x3  }
0xdb: {  	[sflag:s0] =	ssyncadd.s32 $0xFFFFF380;
	[dreg:$0x1d] =	wrdreg s24  }
0xdc: {  	[hbm:s29], [sflag:s30] =	dma.local [spmem:s24], $0xC80  }
0xdd: {  	_ =	swait.ge [sflag:s0], $0xC80  }
0xde: {  	s16 =	rddreg [dreg:$0x16]  }
0xdf: {  	[sflag:s0] =	ssyncset.done $0x0;
	s29 =	rddreg [dreg:$0xa];
	s24 =	sshrl.u32 s16, $0x3  }
0xe0: {  	[sflag:s0] =	ssyncadd.s32 $0xFFFFF380;
	[dreg:$0x1e] =	wrdreg s24  }
0xe1: {  	[hbm:s29], [sflag:s30] =	dma.local [spmem:s24], $0xC80  }
0xe2: {  	_ =	swait.ge [sflag:s0], $0xC80  }
0xe3: {  	s11 =	rddreg [dreg:$0x17]  }
0xe4: {  	[sflag:s0] =	ssyncset.done $0x0;
	s15 =	sshrl.u32 @!p1 s11, $0x3;
	s11 =	rddreg [dreg:$0xb]  }
0xe5: {  	[sflag:s0] =	ssyncadd.s32 $0xFFFFF380;
	[dreg:$0x1f] =	wrdreg s15  }
0xe6: {  	[hbm:s11], [sflag:s30] =	dma.local @!p1 [spmem:s15], $0xC80  }
0xe7: {  	s11 =	simm.s32 @!p1 $0x4  }
0xe8: {  	_ =	swait.ge @!p1 [sflag:s11], $0xC80  }
0xe9: {  	[sflag:s11] =	ssyncset.done @!p1 $0x0  }
0xea: {  	[sflag:s11] =	ssyncadd.s32 @!p1 $0xFFFFF380  }
0xeb: {  	s15 =	simm.s32 $0x3C0;
	s11 =	simm.s32 $0x70;
	[bflag:$0x0] =	sbarrier.arrive $0xFFFF  }
.LBB2_8:
0xec: {  	p3 =	sne.s32 s15, $0x9FC0;
	[tilespmem:s11+$0x14080] =	vst v0  }
0xed: {  	[tilespmem:s11+$0x14010] =	vst v0  }
0xee: {  	[tilespmem:s11+$0x14020] =	vst v0  }
.Ltmp5:
0xef: {  	[tilespmem:s11+$0x14030] =	vst v0;
	(pc) =	sbr.rel @p3 .LBB2_8-.Ltmp5, $4  }
0xf0: {  	[tilespmem:s11+$0x14040] =	vst v0  }
0xf1: {  	[tilespmem:s11+$0x14050] =	vst v0  }
0xf2: {  	[tilespmem:s11+$0x14060] =	vst v0  }
0xf3: {  	[tilespmem:s11+$0x14070] =	vst v0;
	s11 =	sshra.s32 s15, $0x2;
	s15 =	sadd.s32 $0x200, s15  }
0xf4: {  	[tilespmem:s11+$0x14080] =	vst v0  }
0xf5: {  	[tilespmem:s11+$0x14010] =	vst v0  }
0xf6: {  	[tilespmem:s11+$0x14020] =	vst v0  }
0xf7: {  	[tilespmem:s11+$0x14030] =	vst v0  }
0xf8: {  	[tilespmem:s11+$0x14040] =	vst v0  }
0xf9: {  	[tilespmem:s11+$0x14050] =	vst v0  }
0xfa: {  	[tilespmem:s11+$0x14060] =	vst v0  }
0xfb: {  	[tilespmem:s11+$0x14070] =	vst v0  }
0xfc: {  	[spmem:s23] =	stream.linear.scatter [tilespmem:s31], [sflag:$0x4], $0x2800, $0x38;
	[tilespmem:$0x1C080] =	vst v63  }
0xfd: {  	_ =	swait.ge [sflag:s0], $0x2800  }
0xfe: {  	[sflag:s0] =	ssyncset.done $0x0  }
0xff: {  	[sflag:s0] =	ssyncadd.s32 $0xFFFFD800  }
0x100: {  	[spmem:s25] =	stream.linear.scatter [tilespmem:s31], [sflag:$0x4], $0x2800, $0x38;
	[tilespmem:$0x1C080] =	vst v63  }
0x101: {  	_ =	swait.ge [sflag:s0], $0x2800  }
0x102: {  	[sflag:s0] =	ssyncset.done $0x0  }
0x103: {  	[sflag:s0] =	ssyncadd.s32 $0xFFFFD800  }
0x104: {  	[spmem:s26] =	stream.linear.scatter [tilespmem:s31], [sflag:$0x4], $0x2800, $0x38;
	[tilespmem:$0x1C080] =	vst v63  }
0x105: {  	_ =	swait.ge [sflag:s0], $0x2800  }
0x106: {  	[sflag:s0] =	ssyncset.done $0x0  }
0x107: {  	s24 =	rddreg [dreg:$0x12];
	[sflag:s0] =	ssyncadd.s32 $0xFFFFD800  }
0x108: {  	[spmem:s24] =	stream.linear.scatter [tilespmem:s31], [sflag:$0x4], $0x2800, $0x38;
	[tilespmem:$0x1C080] =	vst v63  }
0x109: {  	_ =	swait.ge [sflag:s0], $0x2800  }
0x10a: {  	[sflag:s0] =	ssyncset.done $0x0  }
0x10b: {  	s25 =	rddreg [dreg:$0x18];
	[sflag:s0] =	ssyncadd.s32 $0xFFFFD800  }
0x10c: {  	[spmem:s25] =	stream.linear.scatter [tilespmem:s31], [sflag:$0x4], $0x2800, $0x38;
	[tilespmem:$0x1C080] =	vst v63  }
0x10d: {  	_ =	swait.ge [sflag:s0], $0x2800  }
0x10e: {  	[sflag:s0] =	ssyncset.done $0x0  }
0x10f: {  	s26 =	rddreg [dreg:$0x19];
	[sflag:s0] =	ssyncadd.s32 $0xFFFFD800  }
0x110: {  	[spmem:s26] =	stream.linear.scatter [tilespmem:s31], [sflag:$0x4], $0x2800, $0x38;
	[tilespmem:$0x1C080] =	vst v63  }
0x111: {  	_ =	swait.ge [sflag:s0], $0x2800  }
0x112: {  	[sflag:s0] =	ssyncset.done $0x0  }
0x113: {  	s29 =	rddreg [dreg:$0x1a];
	[sflag:s0] =	ssyncadd.s32 $0xFFFFD800  }
0x114: {  	[spmem:s29] =	stream.linear.scatter [tilespmem:s31], [sflag:$0x4], $0x2800, $0x38;
	[tilespmem:$0x1C080] =	vst v63  }
0x115: {  	_ =	swait.ge [sflag:s0], $0x2800  }
0x116: {  	[sflag:s0] =	ssyncset.done $0x0  }
0x117: {  	s11 =	simm.s32 @!p0 $0x14080;
	s15 =	rddreg [dreg:$0x13];
	[sflag:s0] =	ssyncadd.s32 $0xFFFFD800  }
0x118: {  	[spmem:s15] =	stream.linear.scatter @!p0 [tilespmem:s11], [sflag:$0x4], $0x2800, $0x38;
	[tilespmem:$0x1C080] =	vst v63  }
0x119: {  	s11 =	simm.s32 @!p0 $0x4  }
0x11a: {  	_ =	swait.ge @!p0 [sflag:s11], $0x2800  }
0x11b: {  	[sflag:s11] =	ssyncset.done @!p0 $0x0  }
0x11c: {  	[sflag:s11] =	ssyncadd.s32 @!p0 $0xFFFFD800  }
0x11d: {  	s15 =	simm.s32 $0x200;
	s11 =	simm.s32 $0x0;
	[bflag:$0x0] =	sbarrier.arrive $0xFFFF  }
.LBB2_10:
0x11e: {  	p3 =	sne.s32 s15, $0xFE00;
	[tilespmem:s11+$0x140F0] =	vst v1  }
0x11f: {  	[tilespmem:s11+$0x14080] =	vst v1  }
0x120: {  	[tilespmem:s11+$0x14090] =	vst v1  }
.Ltmp6:
0x121: {  	[tilespmem:s11+$0x140A0] =	vst v1;
	(pc) =	sbr.rel @p3 .LBB2_10-.Ltmp6, $4  }
0x122: {  	[tilespmem:s11+$0x140B0] =	vst v1  }
0x123: {  	[tilespmem:s11+$0x140C0] =	vst v1  }
0x124: {  	[tilespmem:s11+$0x140D0] =	vst v1  }
0x125: {  	[tilespmem:s11+$0x140E0] =	vst v1;
	s11 =	sshra.s32 s15, $0x2;
	s15 =	sadd.s32 $0x200, s15  }
0x126: {  	[tilespmem:s11+$0x140F0] =	vst v1  }
0x127: {  	[tilespmem:s11+$0x14080] =	vst v1  }
0x128: {  	[tilespmem:s11+$0x14090] =	vst v1  }
0x129: {  	[tilespmem:s11+$0x140A0] =	vst v1  }
0x12a: {  	[tilespmem:s11+$0x140B0] =	vst v1  }
0x12b: {  	[tilespmem:s11+$0x140C0] =	vst v1;
	s15 =	sadd.s32 $0x0, s4  }
0x12c: {  	[tilespmem:s11+$0x140D0] =	vst v1;
	p3 =	sgt.u32 s15, $0x9B  }
0x12d: {  	[tilespmem:s11+$0x140E0] =	vst v1;
	s11 =	simm.s32 @!p3 $0x0;
	s15 =	simm.s32 @!p3 $0x13C80;
	s16 =	simm.s32 @!p3 $0x4  }
0x12e: {  	[tilespmem:s15], [sflag:$0x4] =	stream.linear.gather @!p3 [hbm4b:s17+s11], $0x400, $0x38;
	[tilespmem:$0x1C080] =	vst v63  }
0x12f: {  	_ =	swait.ge @!p3 [sflag:s16], $0x400;
	p3 =	por p3, p3  }
0x130: {  	[sflag:s16] =	ssyncset.done @!p3 $0x0  }
0x131: {  	s11 =	simm.s32 @!p3 $0x80;
	s29 =	simm.s32 @!p3 $0x14080;
	[sflag:s16] =	ssyncadd.s32 @!p3 $0xFFFFFC00  }
0x132: {  	[spmem:s1] =	stream.indirect.scatter.add.f32 @!p3 [tilespmem:s29], [sflag:$0x3], $0x80, s15, s11, $0xb8;
	[tilespmem:$0x1C080] =	vst v63  }
0x133: {  	s15 =	simm.s32 @!p3 $0x13D00  }
0x134: {  	[spmem:s1] =	stream.indirect.scatter.add.f32 @!p3 [tilespmem:s29], [sflag:$0x3], $0x80, s15, s11, $0xb8;
	[tilespmem:$0x1C080] =	vst v63  }
0x135: {  	s15 =	simm.s32 @!p3 $0x13D80  }
0x136: {  	[spmem:s1] =	stream.indirect.scatter.add.f32 @!p3 [tilespmem:s29], [sflag:$0x3], $0x80, s15, s11, $0xb8;
	[tilespmem:$0x1C080] =	vst v63  }
0x137: {  	s15 =	simm.s32 @!p3 $0x13E00  }
0x138: {  	[spmem:s1] =	stream.indirect.scatter.add.f32 @!p3 [tilespmem:s29], [sflag:$0x3], $0x80, s15, s11, $0xb8;
	[tilespmem:$0x1C080] =	vst v63  }
0x139: {  	s15 =	simm.s32 @!p3 $0x13E80  }
0x13a: {  	[spmem:s1] =	stream.indirect.scatter.add.f32 @!p3 [tilespmem:s29], [sflag:$0x3], $0x80, s15, s11, $0xb8;
	[tilespmem:$0x1C080] =	vst v63  }
0x13b: {  	s15 =	simm.s32 @!p3 $0x13F00  }
0x13c: {  	[spmem:s1] =	stream.indirect.scatter.add.f32 @!p3 [tilespmem:s29], [sflag:$0x3], $0x80, s15, s11, $0xb8;
	[tilespmem:$0x1C080] =	vst v63  }
0x13d: {  	s15 =	simm.s32 @!p3 $0x13F80  }
0x13e: {  	[spmem:s1] =	stream.indirect.scatter.add.f32 @!p3 [tilespmem:s29], [sflag:$0x3], $0x80, s15, s11, $0xb8;
	[tilespmem:$0x1C080] =	vst v63  }
0x13f: {  	s16 =	simm.s32 @!p3 $0x14000;
	s15 =	simm.s32 @!p3 $0x3  }
0x140: {  	[spmem:s1] =	stream.indirect.scatter.add.f32 @!p3 [tilespmem:s29], [sflag:$0x3], $0x80, s16, s11, $0xb8;
	[tilespmem:$0x1C080] =	vst v63  }
0x141: {  	_ =	swait.ge @!p3 [sflag:s15], $0x4000  }
0x142: {  	[sflag:s15] =	ssyncset.done @!p3 $0x0  }
0x143: {  	[sflag:s15] =	ssyncadd.s32 @!p3 $0xFFFFC000  }
0x144: {  	_ =	swait.ge @!p3 [sflag:s15], $0x4000  }
0x145: {  	[sflag:s15] =	ssyncset.done @!p3 $0x0  }
0x146: {  	[sflag:s15] =	ssyncadd.s32 @!p3 $0xFFFFC000  }
0x147: {  	_ =	swait.ge @!p3 [sflag:s15], $0x4000  }
0x148: {  	[sflag:s15] =	ssyncset.done @!p3 $0x0  }
0x149: {  	[sflag:s15] =	ssyncadd.s32 @!p3 $0xFFFFC000  }
0x14a: {  	_ =	swait.ge @!p3 [sflag:s15], $0x4000  }
0x14b: {  	[sflag:s15] =	ssyncset.done @!p3 $0x0  }
0x14c: {  	[sflag:s15] =	ssyncadd.s32 @!p3 $0xFFFFC000  }
0x14d: {  	_ =	swait.ge @!p3 [sflag:s15], $0x4000  }
0x14e: {  	[sflag:s15] =	ssyncset.done @!p3 $0x0  }
0x14f: {  	[sflag:s15] =	ssyncadd.s32 @!p3 $0xFFFFC000  }
0x150: {  	_ =	swait.ge @!p3 [sflag:s15], $0x4000  }
0x151: {  	[sflag:s15] =	ssyncset.done @!p3 $0x0  }
0x152: {  	[sflag:s15] =	ssyncadd.s32 @!p3 $0xFFFFC000  }
0x153: {  	_ =	swait.ge @!p3 [sflag:s15], $0x4000  }
0x154: {  	s26 =	sadd.s32 $0x10, s4;
	[sflag:s15] =	ssyncset.done @!p3 $0x0  }
0x155: {  	p5 =	sgt.u32 s26, $0x9B;
	[sflag:s15] =	ssyncadd.s32 @!p3 $0xFFFFC000  }
0x156: {  	s11 =	simm.s32 $0x20;
	s29 =	sadd.s32 $0x800, s17;
	_ =	swait.ge @!p3 [sflag:s15], $0x4000  }
.LBB2_12:
0x157: {  	s23 =	simm.s32 @!p5 $0x0  }
0x158: {  	s24 =	simm.s32 @!p5 $0x13C80;
	[sflag:s15] =	ssyncset.done @!p3 $0x0;
	s16 =	smov.u32 s11  }
0x159: {  	s11 =	sadd.s32 $0x10, s11;
	s25 =	simm.s32 @!p5 $0x4;
	[sflag:s15] =	ssyncadd.s32 @!p3 $0xFFFFC000  }
0x15a: {  	[tilespmem:s24], [sflag:$0x4] =	stream.linear.gather @!p5 [hbm4b:s29+s23], $0x400, $0x38;
	[tilespmem:$0x1C080] =	vst v63  }
0x15b: {  	p4 =	sne.s32 s11, $0xA0;
	p3 =	por p5, p5;
	_ =	swait.ge @!p5 [sflag:s25], $0x400  }
0x15c: {  	s23 =	simm.s32 @!p3 $0x80;
	s26 =	simm.s32 @!p3 $0x14080;
	[sflag:s25] =	ssyncset.done @!p3 $0x0  }
0x15d: {  	s15 =	simm.s32 @!p3 $0x13D00;
	[sflag:s25] =	ssyncadd.s32 @!p3 $0xFFFFFC00  }
0x15e: {  	[spmem:s1] =	stream.indirect.scatter.add.f32 @!p3 [tilespmem:s26], [sflag:$0x3], $0x80, s24, s23, $0xb8;
	[tilespmem:$0x1C080] =	vst v63  }
0x15f: {  	s24 =	simm.s32 @!p3 $0x13D80  }
0x160: {  	[spmem:s1] =	stream.indirect.scatter.add.f32 @!p3 [tilespmem:s26], [sflag:$0x3], $0x80, s15, s23, $0xb8;
	[tilespmem:$0x1C080] =	vst v63  }
0x161: {  	s15 =	simm.s32 @!p3 $0x13E00  }
0x162: {  	[spmem:s1] =	stream.indirect.scatter.add.f32 @!p3 [tilespmem:s26], [sflag:$0x3], $0x80, s24, s23, $0xb8;
	[tilespmem:$0x1C080] =	vst v63  }
0x163: {  	s24 =	simm.s32 @!p3 $0x13E80  }
0x164: {  	[spmem:s1] =	stream.indirect.scatter.add.f32 @!p3 [tilespmem:s26], [sflag:$0x3], $0x80, s15, s23, $0xb8;
	[tilespmem:$0x1C080] =	vst v63  }
0x165: {  	s15 =	simm.s32 @!p3 $0x13F00  }
0x166: {  	[spmem:s1] =	stream.indirect.scatter.add.f32 @!p3 [tilespmem:s26], [sflag:$0x3], $0x80, s24, s23, $0xb8;
	[tilespmem:$0x1C080] =	vst v63  }
0x167: {  	s24 =	simm.s32 @!p3 $0x13F80  }
0x168: {  	[spmem:s1] =	stream.indirect.scatter.add.f32 @!p3 [tilespmem:s26], [sflag:$0x3], $0x80, s15, s23, $0xb8;
	[tilespmem:$0x1C080] =	vst v63  }
0x169: {  	s25 =	simm.s32 @!p3 $0x14000  }
0x16a: {  	[spmem:s1] =	stream.indirect.scatter.add.f32 @!p3 [tilespmem:s26], [sflag:$0x3], $0x80, s24, s23, $0xb8;
	[tilespmem:$0x1C080] =	vst v63  }
0x16b: {  	s15 =	simm.s32 @!p3 $0x3  }
0x16c: {  	[spmem:s1] =	stream.indirect.scatter.add.f32 @!p3 [tilespmem:s26], [sflag:$0x3], $0x80, s25, s23, $0xb8;
	[tilespmem:$0x1C080] =	vst v63  }
0x16d: {  	_ =	swait.ge @!p3 [sflag:s15], $0x4000  }
0x16e: {  	[sflag:s15] =	ssyncset.done @!p3 $0x0  }
0x16f: {  	[sflag:s15] =	ssyncadd.s32 @!p3 $0xFFFFC000  }
0x170: {  	_ =	swait.ge @!p3 [sflag:s15], $0x4000  }
0x171: {  	[sflag:s15] =	ssyncset.done @!p3 $0x0  }
0x172: {  	[sflag:s15] =	ssyncadd.s32 @!p3 $0xFFFFC000  }
0x173: {  	_ =	swait.ge @!p3 [sflag:s15], $0x4000  }
0x174: {  	[sflag:s15] =	ssyncset.done @!p3 $0x0  }
0x175: {  	[sflag:s15] =	ssyncadd.s32 @!p3 $0xFFFFC000  }
0x176: {  	_ =	swait.ge @!p3 [sflag:s15], $0x4000  }
0x177: {  	[sflag:s15] =	ssyncset.done @!p3 $0x0  }
0x178: {  	[sflag:s15] =	ssyncadd.s32 @!p3 $0xFFFFC000  }
0x179: {  	_ =	swait.ge @!p3 [sflag:s15], $0x4000  }
0x17a: {  	[sflag:s15] =	ssyncset.done @!p3 $0x0  }
0x17b: {  	[sflag:s15] =	ssyncadd.s32 @!p3 $0xFFFFC000  }
0x17c: {  	_ =	swait.ge @!p3 [sflag:s15], $0x4000  }
0x17d: {  	[sflag:s15] =	ssyncset.done @!p3 $0x0  }
.Ltmp7:
0x17e: {  	[sflag:s15] =	ssyncadd.s32 @!p3 $0xFFFFC000;
	(pc) =	sbr.rel @p4 .LBB2_12-.Ltmp7, $4  }
0x17f: {  	_ =	swait.ge @!p3 [sflag:s15], $0x4000  }
0x180: {  	[sflag:s15] =	ssyncset.done @!p3 $0x0  }
0x181: {  	s16 =	sadd.s32 s16, s4;
	[sflag:s15] =	ssyncadd.s32 @!p3 $0xFFFFC000  }
0x182: {  	s29 =	sadd.s32 $0x800, s29;
	p5 =	sgt.u32 s16, $0x9B;
	_ =	swait.ge @!p3 [sflag:s15], $0x4000  }
0x183: {  	s11 =	simm.s32 @!p5 $0x0;
	[sflag:s15] =	ssyncset.done @!p3 $0x0  }
0x184: {  	s16 =	simm.s32 @!p5 $0x13C80;
	s23 =	simm.s32 @!p5 $0x4;
	[sflag:s15] =	ssyncadd.s32 @!p3 $0xFFFFC000  }
0x185: {  	[tilespmem:s16], [sflag:$0x4] =	stream.linear.gather @!p5 [hbm4b:s29+s11], $0x400, $0x38;
	[tilespmem:$0x1C080] =	vst v63  }
0x186: {  	p3 =	por p5, p5;
	_ =	swait.ge @!p5 [sflag:s23], $0x400  }
0x187: {  	[sflag:s23] =	ssyncset.done @!p3 $0x0  }
0x188: {  	s11 =	simm.s32 @!p3 $0x80;
	s15 =	simm.s32 @!p3 $0x14080;
	[sflag:s23] =	ssyncadd.s32 @!p3 $0xFFFFFC00  }
0x189: {  	[spmem:s1] =	stream.indirect.scatter.add.f32 @!p3 [tilespmem:s15], [sflag:$0x3], $0x80, s16, s11, $0xb8;
	[tilespmem:$0x1C080] =	vst v63  }
0x18a: {  	s16 =	simm.s32 @!p3 $0x13D00  }
0x18b: {  	[spmem:s1] =	stream.indirect.scatter.add.f32 @!p3 [tilespmem:s15], [sflag:$0x3], $0x80, s16, s11, $0xb8;
	[tilespmem:$0x1C080] =	vst v63  }
0x18c: {  	s16 =	simm.s32 @!p3 $0x13D80  }
0x18d: {  	[spmem:s1] =	stream.indirect.scatter.add.f32 @!p3 [tilespmem:s15], [sflag:$0x3], $0x80, s16, s11, $0xb8;
	[tilespmem:$0x1C080] =	vst v63  }
0x18e: {  	s16 =	simm.s32 @!p3 $0x13E00  }
0x18f: {  	[spmem:s1] =	stream.indirect.scatter.add.f32 @!p3 [tilespmem:s15], [sflag:$0x3], $0x80, s16, s11, $0xb8;
	[tilespmem:$0x1C080] =	vst v63  }
0x190: {  	s16 =	simm.s32 @!p3 $0x13E80  }
0x191: {  	[spmem:s1] =	stream.indirect.scatter.add.f32 @!p3 [tilespmem:s15], [sflag:$0x3], $0x80, s16, s11, $0xb8;
	[tilespmem:$0x1C080] =	vst v63  }
0x192: {  	s16 =	simm.s32 @!p3 $0x13F00  }
0x193: {  	[spmem:s1] =	stream.indirect.scatter.add.f32 @!p3 [tilespmem:s15], [sflag:$0x3], $0x80, s16, s11, $0xb8;
	[tilespmem:$0x1C080] =	vst v63  }
0x194: {  	s16 =	simm.s32 @!p3 $0x13F80  }
0x195: {  	[spmem:s1] =	stream.indirect.scatter.add.f32 @!p3 [tilespmem:s15], [sflag:$0x3], $0x80, s16, s11, $0xb8;
	[tilespmem:$0x1C080] =	vst v63  }
0x196: {  	s23 =	simm.s32 @!p3 $0x3;
	s16 =	simm.s32 @!p3 $0x14000  }
0x197: {  	[spmem:s1] =	stream.indirect.scatter.add.f32 @!p3 [tilespmem:s15], [sflag:$0x3], $0x80, s16, s11, $0xb8;
	[tilespmem:$0x1C080] =	vst v63  }
0x198: {  	_ =	swait.ge @!p3 [sflag:s23], $0x4000  }
0x199: {  	[sflag:s23] =	ssyncset.done @!p3 $0x0  }
0x19a: {  	[sflag:s23] =	ssyncadd.s32 @!p3 $0xFFFFC000  }
0x19b: {  	_ =	swait.ge @!p3 [sflag:s23], $0x4000  }
0x19c: {  	[sflag:s23] =	ssyncset.done @!p3 $0x0  }
0x19d: {  	[sflag:s23] =	ssyncadd.s32 @!p3 $0xFFFFC000  }
0x19e: {  	_ =	swait.ge @!p3 [sflag:s23], $0x4000  }
0x19f: {  	[sflag:s23] =	ssyncset.done @!p3 $0x0  }
0x1a0: {  	[sflag:s23] =	ssyncadd.s32 @!p3 $0xFFFFC000  }
0x1a1: {  	_ =	swait.ge @!p3 [sflag:s23], $0x4000  }
0x1a2: {  	[sflag:s23] =	ssyncset.done @!p3 $0x0  }
0x1a3: {  	[sflag:s23] =	ssyncadd.s32 @!p3 $0xFFFFC000  }
0x1a4: {  	_ =	swait.ge @!p3 [sflag:s23], $0x4000  }
0x1a5: {  	[sflag:s23] =	ssyncset.done @!p3 $0x0  }
0x1a6: {  	[sflag:s23] =	ssyncadd.s32 @!p3 $0xFFFFC000  }
0x1a7: {  	_ =	swait.ge @!p3 [sflag:s23], $0x4000  }
0x1a8: {  	[sflag:s23] =	ssyncset.done @!p3 $0x0  }
0x1a9: {  	[sflag:s23] =	ssyncadd.s32 @!p3 $0xFFFFC000  }
0x1aa: {  	_ =	swait.ge @!p3 [sflag:s23], $0x4000  }
0x1ab: {  	[sflag:s23] =	ssyncset.done @!p3 $0x0  }
0x1ac: {  	[sflag:s23] =	ssyncadd.s32 @!p3 $0xFFFFC000  }
0x1ad: {  	_ =	swait.ge @!p3 [sflag:s23], $0x4000  }
0x1ae: {  	s11 =	simm.s32 @!p2 $0x0;
	[sflag:s23] =	ssyncset.done @!p3 $0x0  }
0x1af: {  	s15 =	simm.s32 @!p2 $0x13C80;
	s24 =	rddreg [dreg:$0x5];
	[sflag:s23] =	ssyncadd.s32 @!p3 $0xFFFFC000  }
0x1b0: {  	[tilespmem:s15], [sflag:$0x4] =	stream.linear.gather @!p2 [hbm4b:s24+s11], $0x100, $0x38;
	[tilespmem:$0x1C080] =	vst v63  }
0x1b1: {  	s11 =	simm.s32 @!p2 $0x4  }
0x1b2: {  	_ =	swait.ge @!p2 [sflag:s11], $0x100  }
0x1b3: {  	[sflag:s11] =	ssyncset.done @!p2 $0x0  }
0x1b4: {  	s16 =	simm.s32 @!p2 $0x80;
	s23 =	simm.s32 @!p2 $0x14080;
	[sflag:s11] =	ssyncadd.s32 @!p2 $0xFFFFFF00  }
0x1b5: {  	[spmem:s1] =	stream.indirect.scatter.add.f32 @!p2 [tilespmem:s23], [sflag:$0x4], $0x80, s15, s16, $0xb8;
	[tilespmem:$0x1C080] =	vst v63  }
0x1b6: {  	_ =	swait.ge @!p2 [sflag:s11], $0x4000  }
0x1b7: {  	[sflag:s11] =	ssyncset.done @!p2 $0x0  }
0x1b8: {  	s15 =	simm.s32 @!p2 $0x13D00;
	[sflag:s11] =	ssyncadd.s32 @!p2 $0xFFFFC000  }
0x1b9: {  	[spmem:s1] =	stream.indirect.scatter.add.f32 @!p2 [tilespmem:s23], [sflag:$0x4], $0x80, s15, s16, $0xb8;
	[tilespmem:$0x1C080] =	vst v63  }
0x1ba: {  	_ =	swait.ge @!p2 [sflag:s11], $0x4000  }
0x1bb: {  	[sflag:s11] =	ssyncset.done @!p2 $0x0  }
0x1bc: {  	[sflag:s11] =	ssyncadd.s32 @!p2 $0xFFFFC000  }
0x1bd: {  	[bflag:$0x0] =	sbarrier.arrive $0xFFFF  }
0x1be: {  	s16 =	rddreg [dreg:$0xc]  }
0x1bf: {  	s23 =	rddreg [dreg:$0x1c]  }
0x1c0: {  	[hbm:s16], [sflag:s30] =	dma.local [spmem:s23], $0xC80  }
0x1c1: {  	_ =	swait.ge [sflag:s0], $0xC80  }
0x1c2: {  	[sflag:s0] =	ssyncset.done $0x0;
	s25 =	rddreg [dreg:$0xd]  }
0x1c3: {  	s26 =	rddreg [dreg:$0x1d];
	[sflag:s0] =	ssyncadd.s32 $0xFFFFF380  }
0x1c4: {  	[hbm:s25], [sflag:s30] =	dma.local [spmem:s26], $0xC80  }
0x1c5: {  	_ =	swait.ge [sflag:s0], $0xC80  }
0x1c6: {  	[sflag:s0] =	ssyncset.done $0x0;
	s16 =	rddreg [dreg:$0xe]  }
0x1c7: {  	s23 =	rddreg [dreg:$0x1e];
	[sflag:s0] =	ssyncadd.s32 $0xFFFFF380  }
0x1c8: {  	[hbm:s16], [sflag:s30] =	dma.local [spmem:s23], $0xC80  }
0x1c9: {  	_ =	swait.ge [sflag:s0], $0xC80  }
0x1ca: {  	[sflag:s0] =	ssyncset.done $0x0;
	s11 =	rddreg [dreg:$0xf]  }
0x1cb: {  	s15 =	rddreg [dreg:$0x1f];
	[sflag:s0] =	ssyncadd.s32 $0xFFFFF380  }
0x1cc: {  	[hbm:s11], [sflag:s30] =	dma.local @!p1 [spmem:s15], $0xC80  }
0x1cd: {  	s11 =	simm.s32 @!p1 $0x4  }
0x1ce: {  	_ =	swait.ge @!p1 [sflag:s11], $0xC80  }
0x1cf: {  	s25 =	rddreg [dreg:$0x1b]  }
0x1d0: {  	s26 =	rddreg [dreg:$0x6];
	s16 =	sadd.s32 $0x1, s25  }
0x1d1: {  	p3 =	sne.s32 s16, s26  }
.Ltmp8:
0x1d2: {  	_ = 	snop;
	(pc) =	sbr.rel @p3 .LBB2_1-.Ltmp8, $4  }
0x1d3: {  	s23 =	rddreg [dreg:$0x7]  }
0x1d4: {  	s25 =	rddreg [dreg:$0x10]  }
0x1d5: {  	s29 =	simm.s32 $0x13900;
	[sflag:s11] =	ssyncset.done @!p1 $0x0;
	[dreg:$0x1b] =	wrdreg s16  }
0x1d6: {  	s30 =	simm.s32 $0x13980;
	[sflag:s11] =	ssyncadd.s32 @!p1 $0xFFFFF380;
	s26 =	rddreg [dreg:$0x11]  }
0x1d7: {  	_ =	sfence.sel $0x180000  }
0x1d8: {  	[bflag:$0x0] =	sbarrier.arrive $0xFFFF  }
0x1d9: {  	_ =	strace $0x90000047  }
0x1da: {  	[bflag:$0x2] =	sbarrier.arrive $0xFFFF  }
0x1db: {  	s0 =	rddreg [dreg:$0x3]  }
0x1dc: {  	s0 =	sadd.s32 @!p2 $0x100000, s0  }
0x1dd: {  	[sflag:s0] =	ssyncadd.tile.s32 @!p2 $0x1;
	_ =	shalt  }
.Lfunc_end2:
_tile_overlayer_lowered:
.L_overlay_start_2:
0x1de: {  	(tag) =	ssettag $0x2  }
0x1df: {  	s0 =	rddreg [dreg:$0x0];
	s2 =	stileid.u32  }
0x1e0: {  	s1 =	rddreg [dreg:$0x1];
	p0 =	sne.s32 s2, $0x0  }
0x1e1: {  	s3 =	rddreg [dreg:$0x2];
	[bflag:$0x3] =	sbarrier.arrive $0xFFFF;
	s2 =	simm.s32 @!p0 $0x1C04  }
0x1e2: {  	[timem:s3], [sflag:s2] =	dma.local @!p0 [hbm:s0], s1  }
0x1e3: {  	s0 =	simm.s32 @!p0 $0x4  }
0x1e4: {  	_ =	swait.ge @!p0 [sflag:s0], s1  }
0x1e5: {  	s1 =	ssub.s32 @!p0 $0x0, s1;
	[sflag:s0] =	ssyncset.done @!p0 $0x0  }
0x1e6: {  	[sflag:s0] =	ssyncadd.s32 @!p0 s1  }
0x1e7: {  	[bflag:$0x3] =	sbarrier.arrive $0xFFFF  }
0x1e8: {  	_ =	shalt  }

</sc_bundles>
